<compile_context>
chip_gen: v7x
topology: tpu7x:2x2x1
jax: 0.10.2.dev20260603
libtpu: 0.0.44.dev20260713+nightly
codegen_flags: <defaults>
</compile_context>

<pallas_src>
import functools

import jax
import jax.numpy as jnp
from jax import lax
from jax.experimental import pallas as pl
from jax.experimental.pallas import tpu as pltpu
from jax.experimental.pallas import tpu_sc as plsc

_WLOAD = 6144
_NSTAG = 128


def _build_sc_call(n, num_cores, num_subcores):
    nw = num_cores * num_subcores
    n_groups = n // 8
    gpw = n_groups // nw
    mesh = plsc.VectorSubcoreMesh(core_axis_name="c", subcore_axis_name="s")

    @functools.partial(
        pl.kernel,
        mesh=mesh,
        out_type=jax.ShapeDtypeStruct((n, n), jnp.float32),
        scratch_types=[
            pltpu.VMEM((8, _WLOAD // 128, 128), jnp.float32),
            pltpu.SemaphoreType.DMA,
            pltpu.SemaphoreType.DMA,
        ],
    )
    def run(mega_hbm, out_hbm, fs_v, load_sem, row_sem):
        wid = lax.axis_index("s") * num_cores + lax.axis_index("c")
        r16 = wid % 16
        half = wid // 16
        c0p = 16 * (1 - half)
        mega_view = mega_hbm.at[pl.ds(0, 64 * _NSTAG), :].reshape(
            _NSTAG, 64, 128
        )
        pltpu.async_copy(
            mega_view.at[pl.ds(8 * r16, 8), pl.ds(c0p, _WLOAD // 128), :],
            fs_v,
            load_sem,
        ).wait()
        fs_flat = fs_v.reshape(8, _WLOAD)
        descs = []
        for k in range(gpw):
            row0 = 8 * r16 + 128 * (gpw * half + k)
            qp = 128 * (15 - k)
            descs.append(
                pltpu.async_copy(
                    fs_flat.at[:, pl.ds(qp, n)],
                    out_hbm.at[pl.ds(row0, 8)],
                    row_sem,
                )
            )
        for d in descs:
            d.wait()

    return run


def kernel(query_len, key_len, bias_embedding_table):
    n = bias_embedding_table.shape[0]
    rf = bias_embedding_table[:, 0][::-1]
    p3 = jnp.concatenate(
        [rf[_NSTAG - 1:], jnp.full((n + 1,), rf[n - 1], rf.dtype),
         rf[0:_NSTAG - 1]]
    )
    mega = jnp.tile(p3, _NSTAG).reshape(2 * n + 1, _NSTAG)
    info = plsc.get_sparse_core_info()
    run = _build_sc_call(n, info.num_cores, info.num_subcores)
    return run(mega.astype(jnp.float32))

# --- scband reference (transcript-rebuilt; emitter-appended) ---
"""Pipeline reference for scband-relative-position-embedding-72662256714553 (READ-ONLY COPY).

The authoritative reference and input builder live on the scoring server;
editing this copy changes nothing except your own understanding.
"""

import jax, jax.numpy as jnp
import numpy as np

NUM_RELATIVE_POSITIONS = 4096

def setup_inputs(seed: int = 0) -> dict:
    key = jax.random.key(seed)
    table = jax.random.normal(key, (NUM_RELATIVE_POSITIONS, 1), dtype=jnp.float32) * 0.02
    return {"query_len": 4096, "key_len": 4096, "bias_embedding_table": table}

def reference(query_len, key_len, bias_embedding_table):
    num_rel = bias_embedding_table.shape[0]
    query_positions = (jnp.arange(num_rel) + query_len * 0)[:, None]
    key_positions = (jnp.arange(num_rel) + key_len * 0)[None, :]
    relative_position_matrix = query_positions - key_positions
    clamped = jnp.clip(relative_position_matrix, 0, num_rel - 1)
    emb = jnp.take(bias_embedding_table, clamped, axis=0)  # [Q, K, 1]
    return jnp.squeeze(emb, axis=-1)

if __name__ == "__main__":
    import jax
    _d = setup_inputs()
    print(jax.jit(kernel)(*tuple(_d.values())))

</pallas_src>

<mosaic_0001>
#map = affine_map<(d0, d1) -> (0, 0)>
module attributes {stable_mosaic.version = 14 : i64} {
  func.func @run(%arg0: i32, %arg1: i32, %arg2: memref<8193x128xf32, #tpu.memory_space<hbm>>, %arg3: memref<4096x4096xf32, #tpu.memory_space<hbm>>, %arg4: memref<8x48x128xf32, #tpu.memory_space<vmem>>, %arg5: memref<!tpu.dma_semaphore, #tpu.memory_space<semaphore_mem>>, %arg6: memref<!tpu.dma_semaphore, #tpu.memory_space<semaphore_mem>>) attributes {dimension_semantics = [#tpu.dimension_semantics<core_parallel>, #tpu.dimension_semantics<subcore_parallel>], iteration_bounds = array<i64: 2, 16>, scalar_prefetch = 0 : i64, scratch_operands = 3 : i64, tpu.core_type = #tpu.core_type<sc_vector_subcore>, window_params = [{transform_indices = #map}, {transform_indices = #map}]} {
    %mul3A = arith.constant 2 : i32
    %mul3A_0 = arith.muli %arg1, %mul3A : i32
    %add3A = arith.addi %mul3A_0, %arg0 : i32
    %jit3A = arith.constant 16 : i32
    %eq3A = arith.constant 0 : i32
    %eq3A_1 = arith.cmpi eq, %jit3A, %eq3A : i32
    %jit3A_2 = arith.constant 1 : i32
    %select_n3A = arith.select %eq3A_1, %jit3A_2, %jit3A : i32
    %rem3A = arith.remsi %add3A, %select_n3A : i32
    %ne3A = arith.constant 0 : i32
    %ne3A_3 = arith.cmpi ne, %rem3A, %ne3A : i32
    %lt3A = arith.constant 0 : i32
    %lt3A_4 = arith.cmpi slt, %rem3A, %lt3A : i32
    %lt3A_5 = arith.constant 0 : i32
    %lt3A_6 = arith.cmpi slt, %select_n3A, %lt3A_5 : i32
    %ne3A_7 = arith.xori %lt3A_4, %lt3A_6 : i1
    %and3A = arith.andi %ne3A_7, %ne3A_3 : i1
    %add3A_8 = arith.addi %rem3A, %select_n3A : i32
    %select_n3A_9 = arith.select %and3A, %add3A_8, %rem3A : i32
    %jit3A_10 = arith.constant 16 : i32
    %div3A = arith.divsi %add3A, %jit3A_10 : i32
    %sign3A = arith.constant 0 : i32
    %sign3A_11 = arith.cmpi sgt, %add3A, %sign3A : i32
    %sign3A_12 = arith.extui %sign3A_11 : i1 to i32
    %sign3A_13 = arith.constant 0 : i32
    %sign3A_14 = arith.cmpi slt, %add3A, %sign3A_13 : i32
    %sign3A_15 = arith.extui %sign3A_14 : i1 to i32
    %sign3A_16 = arith.subi %sign3A_12, %sign3A_15 : i32
    %sign3A_17 = arith.constant 0 : i32
    %sign3A_18 = arith.cmpi sgt, %jit3A_10, %sign3A_17 : i32
    %sign3A_19 = arith.extui %sign3A_18 : i1 to i32
    %sign3A_20 = arith.constant 0 : i32
    %sign3A_21 = arith.cmpi slt, %jit3A_10, %sign3A_20 : i32
    %sign3A_22 = arith.extui %sign3A_21 : i1 to i32
    %sign3A_23 = arith.subi %sign3A_19, %sign3A_22 : i32
    %ne3A_24 = arith.cmpi ne, %sign3A_16, %sign3A_23 : i32
    %rem3A_25 = arith.remsi %add3A, %jit3A_10 : i32
    %ne3A_26 = arith.constant 0 : i32
    %ne3A_27 = arith.cmpi ne, %rem3A_25, %ne3A_26 : i32
    %and3A_28 = arith.andi %ne3A_24, %ne3A_27 : i1
    %sub3A = arith.constant 1 : i32
    %sub3A_29 = arith.subi %div3A, %sub3A : i32
    %select_n3A_30 = arith.select %and3A_28, %sub3A_29, %div3A : i32
    %sub3A_31 = arith.constant 1 : i32
    %sub3A_32 = arith.subi %sub3A_31, %select_n3A_30 : i32
    %mul3A_33 = arith.constant 16 : i32
    %mul3A_34 = arith.muli %mul3A_33, %sub3A_32 : i32
    %mul3A_35 = arith.constant 8 : i32
    %mul3A_36 = arith.muli %mul3A_35, %select_n3A_9 : i32
    %dma_start3A = arith.constant 0 : i32
    %dma_start3A_37 = arith.constant 0 : i32
    %dma_start3A_38 = tpu.memref_slice %arg2[%dma_start3A, %dma_start3A_37] : memref<8193x128xf32, #tpu.memory_space<hbm>> -> memref<8192x128xf32, #tpu.memory_space<hbm>>
    %dma_start3A_39 = tpu.memref_reshape %dma_start3A_38 : memref<8192x128xf32, #tpu.memory_space<hbm>> -> memref<128x64x128xf32, #tpu.memory_space<hbm>>
    %dma_start3A_40 = arith.constant 0 : i32
    %dma_start3A_41 = tpu.memref_slice %dma_start3A_39[%mul3A_36, %mul3A_34, %dma_start3A_40] : memref<128x64x128xf32, #tpu.memory_space<hbm>> -> memref<8x48x128xf32, #tpu.memory_space<hbm>>
    %dma_start3A_42 = arith.constant 0 : i32
    %dma_start3A_43 = arith.constant 0 : i32
    %dma_start3A_44 = tpu.memref_slice %arg2[%dma_start3A_42, %dma_start3A_43] : memref<8193x128xf32, #tpu.memory_space<hbm>> -> memref<8192x128xf32, #tpu.memory_space<hbm>>
    %dma_start3A_45 = tpu.memref_reshape %dma_start3A_44 : memref<8192x128xf32, #tpu.memory_space<hbm>> -> memref<128x64x128xf32, #tpu.memory_space<hbm>>
    %dma_start3A_46 = arith.constant 0 : i32
    %dma_start3A_47 = tpu.memref_slice %dma_start3A_45[%mul3A_36, %mul3A_34, %dma_start3A_46] : memref<128x64x128xf32, #tpu.memory_space<hbm>> -> memref<8x48x128xf32, #tpu.memory_space<hbm>>
    tpu.enqueue_dma source(%dma_start3A_47 : memref<8x48x128xf32, #tpu.memory_space<hbm>>) target(%arg4 : memref<8x48x128xf32, #tpu.memory_space<vmem>>) target_semaphore(%arg5 : memref<!tpu.dma_semaphore, #tpu.memory_space<semaphore_mem>>)
    %dma_wait3A = arith.constant 0 : i32
    %dma_wait3A_48 = arith.constant 0 : i32
    %dma_wait3A_49 = tpu.memref_slice %arg2[%dma_wait3A, %dma_wait3A_48] : memref<8193x128xf32, #tpu.memory_space<hbm>> -> memref<8192x128xf32, #tpu.memory_space<hbm>>
    %dma_wait3A_50 = tpu.memref_reshape %dma_wait3A_49 : memref<8192x128xf32, #tpu.memory_space<hbm>> -> memref<128x64x128xf32, #tpu.memory_space<hbm>>
    %dma_wait3A_51 = arith.constant 0 : i32
    %dma_wait3A_52 = tpu.memref_slice %dma_wait3A_50[%mul3A_36, %mul3A_34, %dma_wait3A_51] : memref<128x64x128xf32, #tpu.memory_space<hbm>> -> memref<8x48x128xf32, #tpu.memory_space<hbm>>
    %dma_wait3A_53 = arith.constant 0 : i32
    %dma_wait3A_54 = arith.constant 0 : i32
    %dma_wait3A_55 = tpu.memref_slice %arg2[%dma_wait3A_53, %dma_wait3A_54] : memref<8193x128xf32, #tpu.memory_space<hbm>> -> memref<8192x128xf32, #tpu.memory_space<hbm>>
    %dma_wait3A_56 = tpu.memref_reshape %dma_wait3A_55 : memref<8192x128xf32, #tpu.memory_space<hbm>> -> memref<128x64x128xf32, #tpu.memory_space<hbm>>
    %dma_wait3A_57 = arith.constant 0 : i32
    %dma_wait3A_58 = tpu.memref_slice %dma_wait3A_56[%mul3A_36, %mul3A_34, %dma_wait3A_57] : memref<128x64x128xf32, #tpu.memory_space<hbm>> -> memref<8x48x128xf32, #tpu.memory_space<hbm>>
    tpu.wait_dma2 semaphore(%arg5 : memref<!tpu.dma_semaphore, #tpu.memory_space<semaphore_mem>>) src(%dma_wait3A_58 : memref<8x48x128xf32, #tpu.memory_space<hbm>>) dst(%arg4 : memref<8x48x128xf32, #tpu.memory_space<vmem>>)
    %mul3A_59 = arith.constant 8 : i32
    %mul3A_60 = arith.muli %mul3A_59, %select_n3A_9 : i32
    %mul3A_61 = arith.constant 16 : i32
    %mul3A_62 = arith.muli %mul3A_61, %select_n3A_30 : i32
    %add3A_63 = arith.constant 0 : i32
    %add3A_64 = arith.addi %mul3A_62, %add3A_63 : i32
    %mul3A_65 = arith.constant 128 : i32
    %mul3A_66 = arith.muli %mul3A_65, %add3A_64 : i32
    %add3A_67 = arith.addi %mul3A_60, %mul3A_66 : i32
    %dma_start3A_68 = tpu.memref_reshape %arg4 : memref<8x48x128xf32, #tpu.memory_space<vmem>> -> memref<8x6144xf32, #tpu.memory_space<vmem>>
    %dma_start3A_69 = arith.constant 0 : i32
    %dma_start3A_70 = arith.constant 1920 : i32
    %dma_start3A_71 = tpu.memref_slice %dma_start3A_68[%dma_start3A_69, %dma_start3A_70] : memref<8x6144xf32, #tpu.memory_space<vmem>> -> memref<8x4096xf32, #tpu.memory_space<vmem>>
    %dma_start3A_72 = arith.constant 0 : i32
    %dma_start3A_73 = tpu.memref_slice %arg3[%add3A_67, %dma_start3A_72] : memref<4096x4096xf32, #tpu.memory_space<hbm>> -> memref<8x4096xf32, #tpu.memory_space<hbm>>
    %dma_start3A_74 = arith.constant 0 : i32
    %dma_start3A_75 = tpu.memref_slice %arg3[%add3A_67, %dma_start3A_74] : memref<4096x4096xf32, #tpu.memory_space<hbm>> -> memref<8x4096xf32, #tpu.memory_space<hbm>>
    %dma_start3A_76 = tpu.memref_reshape %arg4 : memref<8x48x128xf32, #tpu.memory_space<vmem>> -> memref<8x6144xf32, #tpu.memory_space<vmem>>
    %dma_start3A_77 = arith.constant 0 : i32
    %dma_start3A_78 = arith.constant 1920 : i32
    %dma_start3A_79 = tpu.memref_slice %dma_start3A_76[%dma_start3A_77, %dma_start3A_78] : memref<8x6144xf32, #tpu.memory_space<vmem>> -> memref<8x4096xf32, #tpu.memory_space<vmem>>
    tpu.enqueue_dma source(%dma_start3A_79 : memref<8x4096xf32, #tpu.memory_space<vmem>>) target(%dma_start3A_75 : memref<8x4096xf32, #tpu.memory_space<hbm>>) target_semaphore(%arg6 : memref<!tpu.dma_semaphore, #tpu.memory_space<semaphore_mem>>)
    %mul3A_80 = arith.constant 8 : i32
    %mul3A_81 = arith.muli %mul3A_80, %select_n3A_9 : i32
    %mul3A_82 = arith.constant 16 : i32
    %mul3A_83 = arith.muli %mul3A_82, %select_n3A_30 : i32
    %add3A_84 = arith.constant 1 : i32
    %add3A_85 = arith.addi %mul3A_83, %add3A_84 : i32
    %mul3A_86 = arith.constant 128 : i32
    %mul3A_87 = arith.muli %mul3A_86, %add3A_85 : i32
    %add3A_88 = arith.addi %mul3A_81, %mul3A_87 : i32
    %dma_start3A_89 = tpu.memref_reshape %arg4 : memref<8x48x128xf32, #tpu.memory_space<vmem>> -> memref<8x6144xf32, #tpu.memory_space<vmem>>
    %dma_start3A_90 = arith.constant 0 : i32
    %dma_start3A_91 = arith.constant 1792 : i32
    %dma_start3A_92 = tpu.memref_slice %dma_start3A_89[%dma_start3A_90, %dma_start3A_91] : memref<8x6144xf32, #tpu.memory_space<vmem>> -> memref<8x4096xf32, #tpu.memory_space<vmem>>
    %dma_start3A_93 = arith.constant 0 : i32
    %dma_start3A_94 = tpu.memref_slice %arg3[%add3A_88, %dma_start3A_93] : memref<4096x4096xf32, #tpu.memory_space<hbm>> -> memref<8x4096xf32, #tpu.memory_space<hbm>>
    %dma_start3A_95 = arith.constant 0 : i32
    %dma_start3A_96 = tpu.memref_slice %arg3[%add3A_88, %dma_start3A_95] : memref<4096x4096xf32, #tpu.memory_space<hbm>> -> memref<8x4096xf32, #tpu.memory_space<hbm>>
    %dma_start3A_97 = tpu.memref_reshape %arg4 : memref<8x48x128xf32, #tpu.memory_space<vmem>> -> memref<8x6144xf32, #tpu.memory_space<vmem>>
    %dma_start3A_98 = arith.constant 0 : i32
    %dma_start3A_99 = arith.constant 1792 : i32
    %dma_start3A_100 = tpu.memref_slice %dma_start3A_97[%dma_start3A_98, %dma_start3A_99] : memref<8x6144xf32, #tpu.memory_space<vmem>> -> memref<8x4096xf32, #tpu.memory_space<vmem>>
    tpu.enqueue_dma source(%dma_start3A_100 : memref<8x4096xf32, #tpu.memory_space<vmem>>) target(%dma_start3A_96 : memref<8x4096xf32, #tpu.memory_space<hbm>>) target_semaphore(%arg6 : memref<!tpu.dma_semaphore, #tpu.memory_space<semaphore_mem>>)
    %mul3A_101 = arith.constant 8 : i32
    %mul3A_102 = arith.muli %mul3A_101, %select_n3A_9 : i32
    %mul3A_103 = arith.constant 16 : i32
    %mul3A_104 = arith.muli %mul3A_103, %select_n3A_30 : i32
    %add3A_105 = arith.constant 2 : i32
    %add3A_106 = arith.addi %mul3A_104, %add3A_105 : i32
    %mul3A_107 = arith.constant 128 : i32
    %mul3A_108 = arith.muli %mul3A_107, %add3A_106 : i32
    %add3A_109 = arith.addi %mul3A_102, %mul3A_108 : i32
    %dma_start3A_110 = tpu.memref_reshape %arg4 : memref<8x48x128xf32, #tpu.memory_space<vmem>> -> memref<8x6144xf32, #tpu.memory_space<vmem>>
    %dma_start3A_111 = arith.constant 0 : i32
    %dma_start3A_112 = arith.constant 1664 : i32
    %dma_start3A_113 = tpu.memref_slice %dma_start3A_110[%dma_start3A_111, %dma_start3A_112] : memref<8x6144xf32, #tpu.memory_space<vmem>> -> memref<8x4096xf32, #tpu.memory_space<vmem>>
    %dma_start3A_114 = arith.constant 0 : i32
    %dma_start3A_115 = tpu.memref_slice %arg3[%add3A_109, %dma_start3A_114] : memref<4096x4096xf32, #tpu.memory_space<hbm>> -> memref<8x4096xf32, #tpu.memory_space<hbm>>
    %dma_start3A_116 = arith.constant 0 : i32
    %dma_start3A_117 = tpu.memref_slice %arg3[%add3A_109, %dma_start3A_116] : memref<4096x4096xf32, #tpu.memory_space<hbm>> -> memref<8x4096xf32, #tpu.memory_space<hbm>>
    %dma_start3A_118 = tpu.memref_reshape %arg4 : memref<8x48x128xf32, #tpu.memory_space<vmem>> -> memref<8x6144xf32, #tpu.memory_space<vmem>>
    %dma_start3A_119 = arith.constant 0 : i32
    %dma_start3A_120 = arith.constant 1664 : i32
    %dma_start3A_121 = tpu.memref_slice %dma_start3A_118[%dma_start3A_119, %dma_start3A_120] : memref<8x6144xf32, #tpu.memory_space<vmem>> -> memref<8x4096xf32, #tpu.memory_space<vmem>>
    tpu.enqueue_dma source(%dma_start3A_121 : memref<8x4096xf32, #tpu.memory_space<vmem>>) target(%dma_start3A_117 : memref<8x4096xf32, #tpu.memory_space<hbm>>) target_semaphore(%arg6 : memref<!tpu.dma_semaphore, #tpu.memory_space<semaphore_mem>>)
    %mul3A_122 = arith.constant 8 : i32
    %mul3A_123 = arith.muli %mul3A_122, %select_n3A_9 : i32
    %mul3A_124 = arith.constant 16 : i32
    %mul3A_125 = arith.muli %mul3A_124, %select_n3A_30 : i32
    %add3A_126 = arith.constant 3 : i32
    %add3A_127 = arith.addi %mul3A_125, %add3A_126 : i32
    %mul3A_128 = arith.constant 128 : i32
    %mul3A_129 = arith.muli %mul3A_128, %add3A_127 : i32
    %add3A_130 = arith.addi %mul3A_123, %mul3A_129 : i32
    %dma_start3A_131 = tpu.memref_reshape %arg4 : memref<8x48x128xf32, #tpu.memory_space<vmem>> -> memref<8x6144xf32, #tpu.memory_space<vmem>>
    %dma_start3A_132 = arith.constant 0 : i32
    %dma_start3A_133 = arith.constant 1536 : i32
    %dma_start3A_134 = tpu.memref_slice %dma_start3A_131[%dma_start3A_132, %dma_start3A_133] : memref<8x6144xf32, #tpu.memory_space<vmem>> -> memref<8x4096xf32, #tpu.memory_space<vmem>>
    %dma_start3A_135 = arith.constant 0 : i32
    %dma_start3A_136 = tpu.memref_slice %arg3[%add3A_130, %dma_start3A_135] : memref<4096x4096xf32, #tpu.memory_space<hbm>> -> memref<8x4096xf32, #tpu.memory_space<hbm>>
    %dma_start3A_137 = arith.constant 0 : i32
    %dma_start3A_138 = tpu.memref_slice %arg3[%add3A_130, %dma_start3A_137] : memref<4096x4096xf32, #tpu.memory_space<hbm>> -> memref<8x4096xf32, #tpu.memory_space<hbm>>
    %dma_start3A_139 = tpu.memref_reshape %arg4 : memref<8x48x128xf32, #tpu.memory_space<vmem>> -> memref<8x6144xf32, #tpu.memory_space<vmem>>
    %dma_start3A_140 = arith.constant 0 : i32
    %dma_start3A_141 = arith.constant 1536 : i32
    %dma_start3A_142 = tpu.memref_slice %dma_start3A_139[%dma_start3A_140, %dma_start3A_141] : memref<8x6144xf32, #tpu.memory_space<vmem>> -> memref<8x4096xf32, #tpu.memory_space<vmem>>
    tpu.enqueue_dma source(%dma_start3A_142 : memref<8x4096xf32, #tpu.memory_space<vmem>>) target(%dma_start3A_138 : memref<8x4096xf32, #tpu.memory_space<hbm>>) target_semaphore(%arg6 : memref<!tpu.dma_semaphore, #tpu.memory_space<semaphore_mem>>)
    %mul3A_143 = arith.constant 8 : i32
    %mul3A_144 = arith.muli %mul3A_143, %select_n3A_9 : i32
    %mul3A_145 = arith.constant 16 : i32
    %mul3A_146 = arith.muli %mul3A_145, %select_n3A_30 : i32
    %add3A_147 = arith.constant 4 : i32
    %add3A_148 = arith.addi %mul3A_146, %add3A_147 : i32
    %mul3A_149 = arith.constant 128 : i32
    %mul3A_150 = arith.muli %mul3A_149, %add3A_148 : i32
    %add3A_151 = arith.addi %mul3A_144, %mul3A_150 : i32
    %dma_start3A_152 = tpu.memref_reshape %arg4 : memref<8x48x128xf32, #tpu.memory_space<vmem>> -> memref<8x6144xf32, #tpu.memory_space<vmem>>
    %dma_start3A_153 = arith.constant 0 : i32
    %dma_start3A_154 = arith.constant 1408 : i32
    %dma_start3A_155 = tpu.memref_slice %dma_start3A_152[%dma_start3A_153, %dma_start3A_154] : memref<8x6144xf32, #tpu.memory_space<vmem>> -> memref<8x4096xf32, #tpu.memory_space<vmem>>
    %dma_start3A_156 = arith.constant 0 : i32
    %dma_start3A_157 = tpu.memref_slice %arg3[%add3A_151, %dma_start3A_156] : memref<4096x4096xf32, #tpu.memory_space<hbm>> -> memref<8x4096xf32, #tpu.memory_space<hbm>>
    %dma_start3A_158 = arith.constant 0 : i32
    %dma_start3A_159 = tpu.memref_slice %arg3[%add3A_151, %dma_start3A_158] : memref<4096x4096xf32, #tpu.memory_space<hbm>> -> memref<8x4096xf32, #tpu.memory_space<hbm>>
    %dma_start3A_160 = tpu.memref_reshape %arg4 : memref<8x48x128xf32, #tpu.memory_space<vmem>> -> memref<8x6144xf32, #tpu.memory_space<vmem>>
    %dma_start3A_161 = arith.constant 0 : i32
    %dma_start3A_162 = arith.constant 1408 : i32
    %dma_start3A_163 = tpu.memref_slice %dma_start3A_160[%dma_start3A_161, %dma_start3A_162] : memref<8x6144xf32, #tpu.memory_space<vmem>> -> memref<8x4096xf32, #tpu.memory_space<vmem>>
    tpu.enqueue_dma source(%dma_start3A_163 : memref<8x4096xf32, #tpu.memory_space<vmem>>) target(%dma_start3A_159 : memref<8x4096xf32, #tpu.memory_space<hbm>>) target_semaphore(%arg6 : memref<!tpu.dma_semaphore, #tpu.memory_space<semaphore_mem>>)
    %mul3A_164 = arith.constant 8 : i32
    %mul3A_165 = arith.muli %mul3A_164, %select_n3A_9 : i32
    %mul3A_166 = arith.constant 16 : i32
    %mul3A_167 = arith.muli %mul3A_166, %select_n3A_30 : i32
    %add3A_168 = arith.constant 5 : i32
    %add3A_169 = arith.addi %mul3A_167, %add3A_168 : i32
    %mul3A_170 = arith.constant 128 : i32
    %mul3A_171 = arith.muli %mul3A_170, %add3A_169 : i32
    %add3A_172 = arith.addi %mul3A_165, %mul3A_171 : i32
    %dma_start3A_173 = tpu.memref_reshape %arg4 : memref<8x48x128xf32, #tpu.memory_space<vmem>> -> memref<8x6144xf32, #tpu.memory_space<vmem>>
    %dma_start3A_174 = arith.constant 0 : i32
    %dma_start3A_175 = arith.constant 1280 : i32
    %dma_start3A_176 = tpu.memref_slice %dma_start3A_173[%dma_start3A_174, %dma_start3A_175] : memref<8x6144xf32, #tpu.memory_space<vmem>> -> memref<8x4096xf32, #tpu.memory_space<vmem>>
    %dma_start3A_177 = arith.constant 0 : i32
    %dma_start3A_178 = tpu.memref_slice %arg3[%add3A_172, %dma_start3A_177] : memref<4096x4096xf32, #tpu.memory_space<hbm>> -> memref<8x4096xf32, #tpu.memory_space<hbm>>
    %dma_start3A_179 = arith.constant 0 : i32
    %dma_start3A_180 = tpu.memref_slice %arg3[%add3A_172, %dma_start3A_179] : memref<4096x4096xf32, #tpu.memory_space<hbm>> -> memref<8x4096xf32, #tpu.memory_space<hbm>>
    %dma_start3A_181 = tpu.memref_reshape %arg4 : memref<8x48x128xf32, #tpu.memory_space<vmem>> -> memref<8x6144xf32, #tpu.memory_space<vmem>>
    %dma_start3A_182 = arith.constant 0 : i32
    %dma_start3A_183 = arith.constant 1280 : i32
    %dma_start3A_184 = tpu.memref_slice %dma_start3A_181[%dma_start3A_182, %dma_start3A_183] : memref<8x6144xf32, #tpu.memory_space<vmem>> -> memref<8x4096xf32, #tpu.memory_space<vmem>>
    tpu.enqueue_dma source(%dma_start3A_184 : memref<8x4096xf32, #tpu.memory_space<vmem>>) target(%dma_start3A_180 : memref<8x4096xf32, #tpu.memory_space<hbm>>) target_semaphore(%arg6 : memref<!tpu.dma_semaphore, #tpu.memory_space<semaphore_mem>>)
    %mul3A_185 = arith.constant 8 : i32
    %mul3A_186 = arith.muli %mul3A_185, %select_n3A_9 : i32
    %mul3A_187 = arith.constant 16 : i32
    %mul3A_188 = arith.muli %mul3A_187, %select_n3A_30 : i32
    %add3A_189 = arith.constant 6 : i32
    %add3A_190 = arith.addi %mul3A_188, %add3A_189 : i32
    %mul3A_191 = arith.constant 128 : i32
    %mul3A_192 = arith.muli %mul3A_191, %add3A_190 : i32
    %add3A_193 = arith.addi %mul3A_186, %mul3A_192 : i32
    %dma_start3A_194 = tpu.memref_reshape %arg4 : memref<8x48x128xf32, #tpu.memory_space<vmem>> -> memref<8x6144xf32, #tpu.memory_space<vmem>>
    %dma_start3A_195 = arith.constant 0 : i32
    %dma_start3A_196 = arith.constant 1152 : i32
    %dma_start3A_197 = tpu.memref_slice %dma_start3A_194[%dma_start3A_195, %dma_start3A_196] : memref<8x6144xf32, #tpu.memory_space<vmem>> -> memref<8x4096xf32, #tpu.memory_space<vmem>>
    %dma_start3A_198 = arith.constant 0 : i32
    %dma_start3A_199 = tpu.memref_slice %arg3[%add3A_193, %dma_start3A_198] : memref<4096x4096xf32, #tpu.memory_space<hbm>> -> memref<8x4096xf32, #tpu.memory_space<hbm>>
    %dma_start3A_200 = arith.constant 0 : i32
    %dma_start3A_201 = tpu.memref_slice %arg3[%add3A_193, %dma_start3A_200] : memref<4096x4096xf32, #tpu.memory_space<hbm>> -> memref<8x4096xf32, #tpu.memory_space<hbm>>
    %dma_start3A_202 = tpu.memref_reshape %arg4 : memref<8x48x128xf32, #tpu.memory_space<vmem>> -> memref<8x6144xf32, #tpu.memory_space<vmem>>
    %dma_start3A_203 = arith.constant 0 : i32
    %dma_start3A_204 = arith.constant 1152 : i32
    %dma_start3A_205 = tpu.memref_slice %dma_start3A_202[%dma_start3A_203, %dma_start3A_204] : memref<8x6144xf32, #tpu.memory_space<vmem>> -> memref<8x4096xf32, #tpu.memory_space<vmem>>
    tpu.enqueue_dma source(%dma_start3A_205 : memref<8x4096xf32, #tpu.memory_space<vmem>>) target(%dma_start3A_201 : memref<8x4096xf32, #tpu.memory_space<hbm>>) target_semaphore(%arg6 : memref<!tpu.dma_semaphore, #tpu.memory_space<semaphore_mem>>)
    %mul3A_206 = arith.constant 8 : i32
    %mul3A_207 = arith.muli %mul3A_206, %select_n3A_9 : i32
    %mul3A_208 = arith.constant 16 : i32
    %mul3A_209 = arith.muli %mul3A_208, %select_n3A_30 : i32
    %add3A_210 = arith.constant 7 : i32
    %add3A_211 = arith.addi %mul3A_209, %add3A_210 : i32
    %mul3A_212 = arith.constant 128 : i32
    %mul3A_213 = arith.muli %mul3A_212, %add3A_211 : i32
    %add3A_214 = arith.addi %mul3A_207, %mul3A_213 : i32
    %dma_start3A_215 = tpu.memref_reshape %arg4 : memref<8x48x128xf32, #tpu.memory_space<vmem>> -> memref<8x6144xf32, #tpu.memory_space<vmem>>
    %dma_start3A_216 = arith.constant 0 : i32
    %dma_start3A_217 = arith.constant 1024 : i32
    %dma_start3A_218 = tpu.memref_slice %dma_start3A_215[%dma_start3A_216, %dma_start3A_217] : memref<8x6144xf32, #tpu.memory_space<vmem>> -> memref<8x4096xf32, #tpu.memory_space<vmem>>
    %dma_start3A_219 = arith.constant 0 : i32
    %dma_start3A_220 = tpu.memref_slice %arg3[%add3A_214, %dma_start3A_219] : memref<4096x4096xf32, #tpu.memory_space<hbm>> -> memref<8x4096xf32, #tpu.memory_space<hbm>>
    %dma_start3A_221 = arith.constant 0 : i32
    %dma_start3A_222 = tpu.memref_slice %arg3[%add3A_214, %dma_start3A_221] : memref<4096x4096xf32, #tpu.memory_space<hbm>> -> memref<8x4096xf32, #tpu.memory_space<hbm>>
    %dma_start3A_223 = tpu.memref_reshape %arg4 : memref<8x48x128xf32, #tpu.memory_space<vmem>> -> memref<8x6144xf32, #tpu.memory_space<vmem>>
    %dma_start3A_224 = arith.constant 0 : i32
    %dma_start3A_225 = arith.constant 1024 : i32
    %dma_start3A_226 = tpu.memref_slice %dma_start3A_223[%dma_start3A_224, %dma_start3A_225] : memref<8x6144xf32, #tpu.memory_space<vmem>> -> memref<8x4096xf32, #tpu.memory_space<vmem>>
    tpu.enqueue_dma source(%dma_start3A_226 : memref<8x4096xf32, #tpu.memory_space<vmem>>) target(%dma_start3A_222 : memref<8x4096xf32, #tpu.memory_space<hbm>>) target_semaphore(%arg6 : memref<!tpu.dma_semaphore, #tpu.memory_space<semaphore_mem>>)
    %mul3A_227 = arith.constant 8 : i32
    %mul3A_228 = arith.muli %mul3A_227, %select_n3A_9 : i32
    %mul3A_229 = arith.constant 16 : i32
    %mul3A_230 = arith.muli %mul3A_229, %select_n3A_30 : i32
    %add3A_231 = arith.constant 8 : i32
    %add3A_232 = arith.addi %mul3A_230, %add3A_231 : i32
    %mul3A_233 = arith.constant 128 : i32
    %mul3A_234 = arith.muli %mul3A_233, %add3A_232 : i32
    %add3A_235 = arith.addi %mul3A_228, %mul3A_234 : i32
    %dma_start3A_236 = tpu.memref_reshape %arg4 : memref<8x48x128xf32, #tpu.memory_space<vmem>> -> memref<8x6144xf32, #tpu.memory_space<vmem>>
    %dma_start3A_237 = arith.constant 0 : i32
    %dma_start3A_238 = arith.constant 896 : i32
    %dma_start3A_239 = tpu.memref_slice %dma_start3A_236[%dma_start3A_237, %dma_start3A_238] : memref<8x6144xf32, #tpu.memory_space<vmem>> -> memref<8x4096xf32, #tpu.memory_space<vmem>>
    %dma_start3A_240 = arith.constant 0 : i32
    %dma_start3A_241 = tpu.memref_slice %arg3[%add3A_235, %dma_start3A_240] : memref<4096x4096xf32, #tpu.memory_space<hbm>> -> memref<8x4096xf32, #tpu.memory_space<hbm>>
    %dma_start3A_242 = arith.constant 0 : i32
    %dma_start3A_243 = tpu.memref_slice %arg3[%add3A_235, %dma_start3A_242] : memref<4096x4096xf32, #tpu.memory_space<hbm>> -> memref<8x4096xf32, #tpu.memory_space<hbm>>
    %dma_start3A_244 = tpu.memref_reshape %arg4 : memref<8x48x128xf32, #tpu.memory_space<vmem>> -> memref<8x6144xf32, #tpu.memory_space<vmem>>
    %dma_start3A_245 = arith.constant 0 : i32
    %dma_start3A_246 = arith.constant 896 : i32
    %dma_start3A_247 = tpu.memref_slice %dma_start3A_244[%dma_start3A_245, %dma_start3A_246] : memref<8x6144xf32, #tpu.memory_space<vmem>> -> memref<8x4096xf32, #tpu.memory_space<vmem>>
    tpu.enqueue_dma source(%dma_start3A_247 : memref<8x4096xf32, #tpu.memory_space<vmem>>) target(%dma_start3A_243 : memref<8x4096xf32, #tpu.memory_space<hbm>>) target_semaphore(%arg6 : memref<!tpu.dma_semaphore, #tpu.memory_space<semaphore_mem>>)
    %mul3A_248 = arith.constant 8 : i32
    %mul3A_249 = arith.muli %mul3A_248, %select_n3A_9 : i32
    %mul3A_250 = arith.constant 16 : i32
    %mul3A_251 = arith.muli %mul3A_250, %select_n3A_30 : i32
    %add3A_252 = arith.constant 9 : i32
    %add3A_253 = arith.addi %mul3A_251, %add3A_252 : i32
    %mul3A_254 = arith.constant 128 : i32
    %mul3A_255 = arith.muli %mul3A_254, %add3A_253 : i32
    %add3A_256 = arith.addi %mul3A_249, %mul3A_255 : i32
    %dma_start3A_257 = tpu.memref_reshape %arg4 : memref<8x48x128xf32, #tpu.memory_space<vmem>> -> memref<8x6144xf32, #tpu.memory_space<vmem>>
    %dma_start3A_258 = arith.constant 0 : i32
    %dma_start3A_259 = arith.constant 768 : i32
    %dma_start3A_260 = tpu.memref_slice %dma_start3A_257[%dma_start3A_258, %dma_start3A_259] : memref<8x6144xf32, #tpu.memory_space<vmem>> -> memref<8x4096xf32, #tpu.memory_space<vmem>>
    %dma_start3A_261 = arith.constant 0 : i32
    %dma_start3A_262 = tpu.memref_slice %arg3[%add3A_256, %dma_start3A_261] : memref<4096x4096xf32, #tpu.memory_space<hbm>> -> memref<8x4096xf32, #tpu.memory_space<hbm>>
    %dma_start3A_263 = arith.constant 0 : i32
    %dma_start3A_264 = tpu.memref_slice %arg3[%add3A_256, %dma_start3A_263] : memref<4096x4096xf32, #tpu.memory_space<hbm>> -> memref<8x4096xf32, #tpu.memory_space<hbm>>
    %dma_start3A_265 = tpu.memref_reshape %arg4 : memref<8x48x128xf32, #tpu.memory_space<vmem>> -> memref<8x6144xf32, #tpu.memory_space<vmem>>
    %dma_start3A_266 = arith.constant 0 : i32
    %dma_start3A_267 = arith.constant 768 : i32
    %dma_start3A_268 = tpu.memref_slice %dma_start3A_265[%dma_start3A_266, %dma_start3A_267] : memref<8x6144xf32, #tpu.memory_space<vmem>> -> memref<8x4096xf32, #tpu.memory_space<vmem>>
    tpu.enqueue_dma source(%dma_start3A_268 : memref<8x4096xf32, #tpu.memory_space<vmem>>) target(%dma_start3A_264 : memref<8x4096xf32, #tpu.memory_space<hbm>>) target_semaphore(%arg6 : memref<!tpu.dma_semaphore, #tpu.memory_space<semaphore_mem>>)
    %mul3A_269 = arith.constant 8 : i32
    %mul3A_270 = arith.muli %mul3A_269, %select_n3A_9 : i32
    %mul3A_271 = arith.constant 16 : i32
    %mul3A_272 = arith.muli %mul3A_271, %select_n3A_30 : i32
    %add3A_273 = arith.constant 10 : i32
    %add3A_274 = arith.addi %mul3A_272, %add3A_273 : i32
    %mul3A_275 = arith.constant 128 : i32
    %mul3A_276 = arith.muli %mul3A_275, %add3A_274 : i32
    %add3A_277 = arith.addi %mul3A_270, %mul3A_276 : i32
    %dma_start3A_278 = tpu.memref_reshape %arg4 : memref<8x48x128xf32, #tpu.memory_space<vmem>> -> memref<8x6144xf32, #tpu.memory_space<vmem>>
    %dma_start3A_279 = arith.constant 0 : i32
    %dma_start3A_280 = arith.constant 640 : i32
    %dma_start3A_281 = tpu.memref_slice %dma_start3A_278[%dma_start3A_279, %dma_start3A_280] : memref<8x6144xf32, #tpu.memory_space<vmem>> -> memref<8x4096xf32, #tpu.memory_space<vmem>>
    %dma_start3A_282 = arith.constant 0 : i32
    %dma_start3A_283 = tpu.memref_slice %arg3[%add3A_277, %dma_start3A_282] : memref<4096x4096xf32, #tpu.memory_space<hbm>> -> memref<8x4096xf32, #tpu.memory_space<hbm>>
    %dma_start3A_284 = arith.constant 0 : i32
    %dma_start3A_285 = tpu.memref_slice %arg3[%add3A_277, %dma_start3A_284] : memref<4096x4096xf32, #tpu.memory_space<hbm>> -> memref<8x4096xf32, #tpu.memory_space<hbm>>
    %dma_start3A_286 = tpu.memref_reshape %arg4 : memref<8x48x128xf32, #tpu.memory_space<vmem>> -> memref<8x6144xf32, #tpu.memory_space<vmem>>
    %dma_start3A_287 = arith.constant 0 : i32
    %dma_start3A_288 = arith.constant 640 : i32
    %dma_start3A_289 = tpu.memref_slice %dma_start3A_286[%dma_start3A_287, %dma_start3A_288] : memref<8x6144xf32, #tpu.memory_space<vmem>> -> memref<8x4096xf32, #tpu.memory_space<vmem>>
    tpu.enqueue_dma source(%dma_start3A_289 : memref<8x4096xf32, #tpu.memory_space<vmem>>) target(%dma_start3A_285 : memref<8x4096xf32, #tpu.memory_space<hbm>>) target_semaphore(%arg6 : memref<!tpu.dma_semaphore, #tpu.memory_space<semaphore_mem>>)
    %mul3A_290 = arith.constant 8 : i32
    %mul3A_291 = arith.muli %mul3A_290, %select_n3A_9 : i32
    %mul3A_292 = arith.constant 16 : i32
    %mul3A_293 = arith.muli %mul3A_292, %select_n3A_30 : i32
    %add3A_294 = arith.constant 11 : i32
    %add3A_295 = arith.addi %mul3A_293, %add3A_294 : i32
    %mul3A_296 = arith.constant 128 : i32
    %mul3A_297 = arith.muli %mul3A_296, %add3A_295 : i32
    %add3A_298 = arith.addi %mul3A_291, %mul3A_297 : i32
    %dma_start3A_299 = tpu.memref_reshape %arg4 : memref<8x48x128xf32, #tpu.memory_space<vmem>> -> memref<8x6144xf32, #tpu.memory_space<vmem>>
    %dma_start3A_300 = arith.constant 0 : i32
    %dma_start3A_301 = arith.constant 512 : i32
    %dma_start3A_302 = tpu.memref_slice %dma_start3A_299[%dma_start3A_300, %dma_start3A_301] : memref<8x6144xf32, #tpu.memory_space<vmem>> -> memref<8x4096xf32, #tpu.memory_space<vmem>>
    %dma_start3A_303 = arith.constant 0 : i32
    %dma_start3A_304 = tpu.memref_slice %arg3[%add3A_298, %dma_start3A_303] : memref<4096x4096xf32, #tpu.memory_space<hbm>> -> memref<8x4096xf32, #tpu.memory_space<hbm>>
    %dma_start3A_305 = arith.constant 0 : i32
    %dma_start3A_306 = tpu.memref_slice %arg3[%add3A_298, %dma_start3A_305] : memref<4096x4096xf32, #tpu.memory_space<hbm>> -> memref<8x4096xf32, #tpu.memory_space<hbm>>
    %dma_start3A_307 = tpu.memref_reshape %arg4 : memref<8x48x128xf32, #tpu.memory_space<vmem>> -> memref<8x6144xf32, #tpu.memory_space<vmem>>
    %dma_start3A_308 = arith.constant 0 : i32
    %dma_start3A_309 = arith.constant 512 : i32
    %dma_start3A_310 = tpu.memref_slice %dma_start3A_307[%dma_start3A_308, %dma_start3A_309] : memref<8x6144xf32, #tpu.memory_space<vmem>> -> memref<8x4096xf32, #tpu.memory_space<vmem>>
    tpu.enqueue_dma source(%dma_start3A_310 : memref<8x4096xf32, #tpu.memory_space<vmem>>) target(%dma_start3A_306 : memref<8x4096xf32, #tpu.memory_space<hbm>>) target_semaphore(%arg6 : memref<!tpu.dma_semaphore, #tpu.memory_space<semaphore_mem>>)
    %mul3A_311 = arith.constant 8 : i32
    %mul3A_312 = arith.muli %mul3A_311, %select_n3A_9 : i32
    %mul3A_313 = arith.constant 16 : i32
    %mul3A_314 = arith.muli %mul3A_313, %select_n3A_30 : i32
    %add3A_315 = arith.constant 12 : i32
    %add3A_316 = arith.addi %mul3A_314, %add3A_315 : i32
    %mul3A_317 = arith.constant 128 : i32
    %mul3A_318 = arith.muli %mul3A_317, %add3A_316 : i32
    %add3A_319 = arith.addi %mul3A_312, %mul3A_318 : i32
    %dma_start3A_320 = tpu.memref_reshape %arg4 : memref<8x48x128xf32, #tpu.memory_space<vmem>> -> memref<8x6144xf32, #tpu.memory_space<vmem>>
    %dma_start3A_321 = arith.constant 0 : i32
    %dma_start3A_322 = arith.constant 384 : i32
    %dma_start3A_323 = tpu.memref_slice %dma_start3A_320[%dma_start3A_321, %dma_start3A_322] : memref<8x6144xf32, #tpu.memory_space<vmem>> -> memref<8x4096xf32, #tpu.memory_space<vmem>>
    %dma_start3A_324 = arith.constant 0 : i32
    %dma_start3A_325 = tpu.memref_slice %arg3[%add3A_319, %dma_start3A_324] : memref<4096x4096xf32, #tpu.memory_space<hbm>> -> memref<8x4096xf32, #tpu.memory_space<hbm>>
    %dma_start3A_326 = arith.constant 0 : i32
    %dma_start3A_327 = tpu.memref_slice %arg3[%add3A_319, %dma_start3A_326] : memref<4096x4096xf32, #tpu.memory_space<hbm>> -> memref<8x4096xf32, #tpu.memory_space<hbm>>
    %dma_start3A_328 = tpu.memref_reshape %arg4 : memref<8x48x128xf32, #tpu.memory_space<vmem>> -> memref<8x6144xf32, #tpu.memory_space<vmem>>
    %dma_start3A_329 = arith.constant 0 : i32
    %dma_start3A_330 = arith.constant 384 : i32
    %dma_start3A_331 = tpu.memref_slice %dma_start3A_328[%dma_start3A_329, %dma_start3A_330] : memref<8x6144xf32, #tpu.memory_space<vmem>> -> memref<8x4096xf32, #tpu.memory_space<vmem>>
    tpu.enqueue_dma source(%dma_start3A_331 : memref<8x4096xf32, #tpu.memory_space<vmem>>) target(%dma_start3A_327 : memref<8x4096xf32, #tpu.memory_space<hbm>>) target_semaphore(%arg6 : memref<!tpu.dma_semaphore, #tpu.memory_space<semaphore_mem>>)
    %mul3A_332 = arith.constant 8 : i32
    %mul3A_333 = arith.muli %mul3A_332, %select_n3A_9 : i32
    %mul3A_334 = arith.constant 16 : i32
    %mul3A_335 = arith.muli %mul3A_334, %select_n3A_30 : i32
    %add3A_336 = arith.constant 13 : i32
    %add3A_337 = arith.addi %mul3A_335, %add3A_336 : i32
    %mul3A_338 = arith.constant 128 : i32
    %mul3A_339 = arith.muli %mul3A_338, %add3A_337 : i32
    %add3A_340 = arith.addi %mul3A_333, %mul3A_339 : i32
    %dma_start3A_341 = tpu.memref_reshape %arg4 : memref<8x48x128xf32, #tpu.memory_space<vmem>> -> memref<8x6144xf32, #tpu.memory_space<vmem>>
    %dma_start3A_342 = arith.constant 0 : i32
    %dma_start3A_343 = arith.constant 256 : i32
    %dma_start3A_344 = tpu.memref_slice %dma_start3A_341[%dma_start3A_342, %dma_start3A_343] : memref<8x6144xf32, #tpu.memory_space<vmem>> -> memref<8x4096xf32, #tpu.memory_space<vmem>>
    %dma_start3A_345 = arith.constant 0 : i32
    %dma_start3A_346 = tpu.memref_slice %arg3[%add3A_340, %dma_start3A_345] : memref<4096x4096xf32, #tpu.memory_space<hbm>> -> memref<8x4096xf32, #tpu.memory_space<hbm>>
    %dma_start3A_347 = arith.constant 0 : i32
    %dma_start3A_348 = tpu.memref_slice %arg3[%add3A_340, %dma_start3A_347] : memref<4096x4096xf32, #tpu.memory_space<hbm>> -> memref<8x4096xf32, #tpu.memory_space<hbm>>
    %dma_start3A_349 = tpu.memref_reshape %arg4 : memref<8x48x128xf32, #tpu.memory_space<vmem>> -> memref<8x6144xf32, #tpu.memory_space<vmem>>
    %dma_start3A_350 = arith.constant 0 : i32
    %dma_start3A_351 = arith.constant 256 : i32
    %dma_start3A_352 = tpu.memref_slice %dma_start3A_349[%dma_start3A_350, %dma_start3A_351] : memref<8x6144xf32, #tpu.memory_space<vmem>> -> memref<8x4096xf32, #tpu.memory_space<vmem>>
    tpu.enqueue_dma source(%dma_start3A_352 : memref<8x4096xf32, #tpu.memory_space<vmem>>) target(%dma_start3A_348 : memref<8x4096xf32, #tpu.memory_space<hbm>>) target_semaphore(%arg6 : memref<!tpu.dma_semaphore, #tpu.memory_space<semaphore_mem>>)
    %mul3A_353 = arith.constant 8 : i32
    %mul3A_354 = arith.muli %mul3A_353, %select_n3A_9 : i32
    %mul3A_355 = arith.constant 16 : i32
    %mul3A_356 = arith.muli %mul3A_355, %select_n3A_30 : i32
    %add3A_357 = arith.constant 14 : i32
    %add3A_358 = arith.addi %mul3A_356, %add3A_357 : i32
    %mul3A_359 = arith.constant 128 : i32
    %mul3A_360 = arith.muli %mul3A_359, %add3A_358 : i32
    %add3A_361 = arith.addi %mul3A_354, %mul3A_360 : i32
    %dma_start3A_362 = tpu.memref_reshape %arg4 : memref<8x48x128xf32, #tpu.memory_space<vmem>> -> memref<8x6144xf32, #tpu.memory_space<vmem>>
    %dma_start3A_363 = arith.constant 0 : i32
    %dma_start3A_364 = arith.constant 128 : i32
    %dma_start3A_365 = tpu.memref_slice %dma_start3A_362[%dma_start3A_363, %dma_start3A_364] : memref<8x6144xf32, #tpu.memory_space<vmem>> -> memref<8x4096xf32, #tpu.memory_space<vmem>>
    %dma_start3A_366 = arith.constant 0 : i32
    %dma_start3A_367 = tpu.memref_slice %arg3[%add3A_361, %dma_start3A_366] : memref<4096x4096xf32, #tpu.memory_space<hbm>> -> memref<8x4096xf32, #tpu.memory_space<hbm>>
    %dma_start3A_368 = arith.constant 0 : i32
    %dma_start3A_369 = tpu.memref_slice %arg3[%add3A_361, %dma_start3A_368] : memref<4096x4096xf32, #tpu.memory_space<hbm>> -> memref<8x4096xf32, #tpu.memory_space<hbm>>
    %dma_start3A_370 = tpu.memref_reshape %arg4 : memref<8x48x128xf32, #tpu.memory_space<vmem>> -> memref<8x6144xf32, #tpu.memory_space<vmem>>
    %dma_start3A_371 = arith.constant 0 : i32
    %dma_start3A_372 = arith.constant 128 : i32
    %dma_start3A_373 = tpu.memref_slice %dma_start3A_370[%dma_start3A_371, %dma_start3A_372] : memref<8x6144xf32, #tpu.memory_space<vmem>> -> memref<8x4096xf32, #tpu.memory_space<vmem>>
    tpu.enqueue_dma source(%dma_start3A_373 : memref<8x4096xf32, #tpu.memory_space<vmem>>) target(%dma_start3A_369 : memref<8x4096xf32, #tpu.memory_space<hbm>>) target_semaphore(%arg6 : memref<!tpu.dma_semaphore, #tpu.memory_space<semaphore_mem>>)
    %mul3A_374 = arith.constant 8 : i32
    %mul3A_375 = arith.muli %mul3A_374, %select_n3A_9 : i32
    %mul3A_376 = arith.constant 16 : i32
    %mul3A_377 = arith.muli %mul3A_376, %select_n3A_30 : i32
    %add3A_378 = arith.constant 15 : i32
    %add3A_379 = arith.addi %mul3A_377, %add3A_378 : i32
    %mul3A_380 = arith.constant 128 : i32
    %mul3A_381 = arith.muli %mul3A_380, %add3A_379 : i32
    %add3A_382 = arith.addi %mul3A_375, %mul3A_381 : i32
    %dma_start3A_383 = tpu.memref_reshape %arg4 : memref<8x48x128xf32, #tpu.memory_space<vmem>> -> memref<8x6144xf32, #tpu.memory_space<vmem>>
    %dma_start3A_384 = arith.constant 0 : i32
    %dma_start3A_385 = arith.constant 0 : i32
    %dma_start3A_386 = tpu.memref_slice %dma_start3A_383[%dma_start3A_384, %dma_start3A_385] : memref<8x6144xf32, #tpu.memory_space<vmem>> -> memref<8x4096xf32, #tpu.memory_space<vmem>>
    %dma_start3A_387 = arith.constant 0 : i32
    %dma_start3A_388 = tpu.memref_slice %arg3[%add3A_382, %dma_start3A_387] : memref<4096x4096xf32, #tpu.memory_space<hbm>> -> memref<8x4096xf32, #tpu.memory_space<hbm>>
    %dma_start3A_389 = arith.constant 0 : i32
    %dma_start3A_390 = tpu.memref_slice %arg3[%add3A_382, %dma_start3A_389] : memref<4096x4096xf32, #tpu.memory_space<hbm>> -> memref<8x4096xf32, #tpu.memory_space<hbm>>
    %dma_start3A_391 = tpu.memref_reshape %arg4 : memref<8x48x128xf32, #tpu.memory_space<vmem>> -> memref<8x6144xf32, #tpu.memory_space<vmem>>
    %dma_start3A_392 = arith.constant 0 : i32
    %dma_start3A_393 = arith.constant 0 : i32
    %dma_start3A_394 = tpu.memref_slice %dma_start3A_391[%dma_start3A_392, %dma_start3A_393] : memref<8x6144xf32, #tpu.memory_space<vmem>> -> memref<8x4096xf32, #tpu.memory_space<vmem>>
    tpu.enqueue_dma source(%dma_start3A_394 : memref<8x4096xf32, #tpu.memory_space<vmem>>) target(%dma_start3A_390 : memref<8x4096xf32, #tpu.memory_space<hbm>>) target_semaphore(%arg6 : memref<!tpu.dma_semaphore, #tpu.memory_space<semaphore_mem>>)
    %dma_wait3A_395 = tpu.memref_reshape %arg4 : memref<8x48x128xf32, #tpu.memory_space<vmem>> -> memref<8x6144xf32, #tpu.memory_space<vmem>>
    %dma_wait3A_396 = arith.constant 0 : i32
    %dma_wait3A_397 = arith.constant 1920 : i32
    %dma_wait3A_398 = tpu.memref_slice %dma_wait3A_395[%dma_wait3A_396, %dma_wait3A_397] : memref<8x6144xf32, #tpu.memory_space<vmem>> -> memref<8x4096xf32, #tpu.memory_space<vmem>>
    %dma_wait3A_399 = arith.constant 0 : i32
    %dma_wait3A_400 = tpu.memref_slice %arg3[%add3A_67, %dma_wait3A_399] : memref<4096x4096xf32, #tpu.memory_space<hbm>> -> memref<8x4096xf32, #tpu.memory_space<hbm>>
    %dma_wait3A_401 = arith.constant 0 : i32
    %dma_wait3A_402 = tpu.memref_slice %arg3[%add3A_67, %dma_wait3A_401] : memref<4096x4096xf32, #tpu.memory_space<hbm>> -> memref<8x4096xf32, #tpu.memory_space<hbm>>
    %dma_wait3A_403 = tpu.memref_reshape %arg4 : memref<8x48x128xf32, #tpu.memory_space<vmem>> -> memref<8x6144xf32, #tpu.memory_space<vmem>>
    %dma_wait3A_404 = arith.constant 0 : i32
    %dma_wait3A_405 = arith.constant 1920 : i32
    %dma_wait3A_406 = tpu.memref_slice %dma_wait3A_403[%dma_wait3A_404, %dma_wait3A_405] : memref<8x6144xf32, #tpu.memory_space<vmem>> -> memref<8x4096xf32, #tpu.memory_space<vmem>>
    tpu.wait_dma2 semaphore(%arg6 : memref<!tpu.dma_semaphore, #tpu.memory_space<semaphore_mem>>) src(%dma_wait3A_406 : memref<8x4096xf32, #tpu.memory_space<vmem>>) dst(%dma_wait3A_402 : memref<8x4096xf32, #tpu.memory_space<hbm>>)
    %dma_wait3A_407 = tpu.memref_reshape %arg4 : memref<8x48x128xf32, #tpu.memory_space<vmem>> -> memref<8x6144xf32, #tpu.memory_space<vmem>>
    %dma_wait3A_408 = arith.constant 0 : i32
    %dma_wait3A_409 = arith.constant 1792 : i32
    %dma_wait3A_410 = tpu.memref_slice %dma_wait3A_407[%dma_wait3A_408, %dma_wait3A_409] : memref<8x6144xf32, #tpu.memory_space<vmem>> -> memref<8x4096xf32, #tpu.memory_space<vmem>>
    %dma_wait3A_411 = arith.constant 0 : i32
    %dma_wait3A_412 = tpu.memref_slice %arg3[%add3A_88, %dma_wait3A_411] : memref<4096x4096xf32, #tpu.memory_space<hbm>> -> memref<8x4096xf32, #tpu.memory_space<hbm>>
    %dma_wait3A_413 = arith.constant 0 : i32
    %dma_wait3A_414 = tpu.memref_slice %arg3[%add3A_88, %dma_wait3A_413] : memref<4096x4096xf32, #tpu.memory_space<hbm>> -> memref<8x4096xf32, #tpu.memory_space<hbm>>
    %dma_wait3A_415 = tpu.memref_reshape %arg4 : memref<8x48x128xf32, #tpu.memory_space<vmem>> -> memref<8x6144xf32, #tpu.memory_space<vmem>>
    %dma_wait3A_416 = arith.constant 0 : i32
    %dma_wait3A_417 = arith.constant 1792 : i32
    %dma_wait3A_418 = tpu.memref_slice %dma_wait3A_415[%dma_wait3A_416, %dma_wait3A_417] : memref<8x6144xf32, #tpu.memory_space<vmem>> -> memref<8x4096xf32, #tpu.memory_space<vmem>>
    tpu.wait_dma2 semaphore(%arg6 : memref<!tpu.dma_semaphore, #tpu.memory_space<semaphore_mem>>) src(%dma_wait3A_418 : memref<8x4096xf32, #tpu.memory_space<vmem>>) dst(%dma_wait3A_414 : memref<8x4096xf32, #tpu.memory_space<hbm>>)
    %dma_wait3A_419 = tpu.memref_reshape %arg4 : memref<8x48x128xf32, #tpu.memory_space<vmem>> -> memref<8x6144xf32, #tpu.memory_space<vmem>>
    %dma_wait3A_420 = arith.constant 0 : i32
    %dma_wait3A_421 = arith.constant 1664 : i32
    %dma_wait3A_422 = tpu.memref_slice %dma_wait3A_419[%dma_wait3A_420, %dma_wait3A_421] : memref<8x6144xf32, #tpu.memory_space<vmem>> -> memref<8x4096xf32, #tpu.memory_space<vmem>>
    %dma_wait3A_423 = arith.constant 0 : i32
    %dma_wait3A_424 = tpu.memref_slice %arg3[%add3A_109, %dma_wait3A_423] : memref<4096x4096xf32, #tpu.memory_space<hbm>> -> memref<8x4096xf32, #tpu.memory_space<hbm>>
    %dma_wait3A_425 = arith.constant 0 : i32
    %dma_wait3A_426 = tpu.memref_slice %arg3[%add3A_109, %dma_wait3A_425] : memref<4096x4096xf32, #tpu.memory_space<hbm>> -> memref<8x4096xf32, #tpu.memory_space<hbm>>
    %dma_wait3A_427 = tpu.memref_reshape %arg4 : memref<8x48x128xf32, #tpu.memory_space<vmem>> -> memref<8x6144xf32, #tpu.memory_space<vmem>>
    %dma_wait3A_428 = arith.constant 0 : i32
    %dma_wait3A_429 = arith.constant 1664 : i32
    %dma_wait3A_430 = tpu.memref_slice %dma_wait3A_427[%dma_wait3A_428, %dma_wait3A_429] : memref<8x6144xf32, #tpu.memory_space<vmem>> -> memref<8x4096xf32, #tpu.memory_space<vmem>>
    tpu.wait_dma2 semaphore(%arg6 : memref<!tpu.dma_semaphore, #tpu.memory_space<semaphore_mem>>) src(%dma_wait3A_430 : memref<8x4096xf32, #tpu.memory_space<vmem>>) dst(%dma_wait3A_426 : memref<8x4096xf32, #tpu.memory_space<hbm>>)
    %dma_wait3A_431 = tpu.memref_reshape %arg4 : memref<8x48x128xf32, #tpu.memory_space<vmem>> -> memref<8x6144xf32, #tpu.memory_space<vmem>>
    %dma_wait3A_432 = arith.constant 0 : i32
    %dma_wait3A_433 = arith.constant 1536 : i32
    %dma_wait3A_434 = tpu.memref_slice %dma_wait3A_431[%dma_wait3A_432, %dma_wait3A_433] : memref<8x6144xf32, #tpu.memory_space<vmem>> -> memref<8x4096xf32, #tpu.memory_space<vmem>>
    %dma_wait3A_435 = arith.constant 0 : i32
    %dma_wait3A_436 = tpu.memref_slice %arg3[%add3A_130, %dma_wait3A_435] : memref<4096x4096xf32, #tpu.memory_space<hbm>> -> memref<8x4096xf32, #tpu.memory_space<hbm>>
    %dma_wait3A_437 = arith.constant 0 : i32
    %dma_wait3A_438 = tpu.memref_slice %arg3[%add3A_130, %dma_wait3A_437] : memref<4096x4096xf32, #tpu.memory_space<hbm>> -> memref<8x4096xf32, #tpu.memory_space<hbm>>
    %dma_wait3A_439 = tpu.memref_reshape %arg4 : memref<8x48x128xf32, #tpu.memory_space<vmem>> -> memref<8x6144xf32, #tpu.memory_space<vmem>>
    %dma_wait3A_440 = arith.constant 0 : i32
    %dma_wait3A_441 = arith.constant 1536 : i32
    %dma_wait3A_442 = tpu.memref_slice %dma_wait3A_439[%dma_wait3A_440, %dma_wait3A_441] : memref<8x6144xf32, #tpu.memory_space<vmem>> -> memref<8x4096xf32, #tpu.memory_space<vmem>>
    tpu.wait_dma2 semaphore(%arg6 : memref<!tpu.dma_semaphore, #tpu.memory_space<semaphore_mem>>) src(%dma_wait3A_442 : memref<8x4096xf32, #tpu.memory_space<vmem>>) dst(%dma_wait3A_438 : memref<8x4096xf32, #tpu.memory_space<hbm>>)
    %dma_wait3A_443 = tpu.memref_reshape %arg4 : memref<8x48x128xf32, #tpu.memory_space<vmem>> -> memref<8x6144xf32, #tpu.memory_space<vmem>>
    %dma_wait3A_444 = arith.constant 0 : i32
    %dma_wait3A_445 = arith.constant 1408 : i32
    %dma_wait3A_446 = tpu.memref_slice %dma_wait3A_443[%dma_wait3A_444, %dma_wait3A_445] : memref<8x6144xf32, #tpu.memory_space<vmem>> -> memref<8x4096xf32, #tpu.memory_space<vmem>>
    %dma_wait3A_447 = arith.constant 0 : i32
    %dma_wait3A_448 = tpu.memref_slice %arg3[%add3A_151, %dma_wait3A_447] : memref<4096x4096xf32, #tpu.memory_space<hbm>> -> memref<8x4096xf32, #tpu.memory_space<hbm>>
    %dma_wait3A_449 = arith.constant 0 : i32
    %dma_wait3A_450 = tpu.memref_slice %arg3[%add3A_151, %dma_wait3A_449] : memref<4096x4096xf32, #tpu.memory_space<hbm>> -> memref<8x4096xf32, #tpu.memory_space<hbm>>
    %dma_wait3A_451 = tpu.memref_reshape %arg4 : memref<8x48x128xf32, #tpu.memory_space<vmem>> -> memref<8x6144xf32, #tpu.memory_space<vmem>>
    %dma_wait3A_452 = arith.constant 0 : i32
    %dma_wait3A_453 = arith.constant 1408 : i32
    %dma_wait3A_454 = tpu.memref_slice %dma_wait3A_451[%dma_wait3A_452, %dma_wait3A_453] : memref<8x6144xf32, #tpu.memory_space<vmem>> -> memref<8x4096xf32, #tpu.memory_space<vmem>>
    tpu.wait_dma2 semaphore(%arg6 : memref<!tpu.dma_semaphore, #tpu.memory_space<semaphore_mem>>) src(%dma_wait3A_454 : memref<8x4096xf32, #tpu.memory_space<vmem>>) dst(%dma_wait3A_450 : memref<8x4096xf32, #tpu.memory_space<hbm>>)
    %dma_wait3A_455 = tpu.memref_reshape %arg4 : memref<8x48x128xf32, #tpu.memory_space<vmem>> -> memref<8x6144xf32, #tpu.memory_space<vmem>>
    %dma_wait3A_456 = arith.constant 0 : i32
    %dma_wait3A_457 = arith.constant 1280 : i32
    %dma_wait3A_458 = tpu.memref_slice %dma_wait3A_455[%dma_wait3A_456, %dma_wait3A_457] : memref<8x6144xf32, #tpu.memory_space<vmem>> -> memref<8x4096xf32, #tpu.memory_space<vmem>>
    %dma_wait3A_459 = arith.constant 0 : i32
    %dma_wait3A_460 = tpu.memref_slice %arg3[%add3A_172, %dma_wait3A_459] : memref<4096x4096xf32, #tpu.memory_space<hbm>> -> memref<8x4096xf32, #tpu.memory_space<hbm>>
    %dma_wait3A_461 = arith.constant 0 : i32
    %dma_wait3A_462 = tpu.memref_slice %arg3[%add3A_172, %dma_wait3A_461] : memref<4096x4096xf32, #tpu.memory_space<hbm>> -> memref<8x4096xf32, #tpu.memory_space<hbm>>
    %dma_wait3A_463 = tpu.memref_reshape %arg4 : memref<8x48x128xf32, #tpu.memory_space<vmem>> -> memref<8x6144xf32, #tpu.memory_space<vmem>>
    %dma_wait3A_464 = arith.constant 0 : i32
    %dma_wait3A_465 = arith.constant 1280 : i32
    %dma_wait3A_466 = tpu.memref_slice %dma_wait3A_463[%dma_wait3A_464, %dma_wait3A_465] : memref<8x6144xf32, #tpu.memory_space<vmem>> -> memref<8x4096xf32, #tpu.memory_space<vmem>>
    tpu.wait_dma2 semaphore(%arg6 : memref<!tpu.dma_semaphore, #tpu.memory_space<semaphore_mem>>) src(%dma_wait3A_466 : memref<8x4096xf32, #tpu.memory_space<vmem>>) dst(%dma_wait3A_462 : memref<8x4096xf32, #tpu.memory_space<hbm>>)
    %dma_wait3A_467 = tpu.memref_reshape %arg4 : memref<8x48x128xf32, #tpu.memory_space<vmem>> -> memref<8x6144xf32, #tpu.memory_space<vmem>>
    %dma_wait3A_468 = arith.constant 0 : i32
    %dma_wait3A_469 = arith.constant 1152 : i32
    %dma_wait3A_470 = tpu.memref_slice %dma_wait3A_467[%dma_wait3A_468, %dma_wait3A_469] : memref<8x6144xf32, #tpu.memory_space<vmem>> -> memref<8x4096xf32, #tpu.memory_space<vmem>>
    %dma_wait3A_471 = arith.constant 0 : i32
    %dma_wait3A_472 = tpu.memref_slice %arg3[%add3A_193, %dma_wait3A_471] : memref<4096x4096xf32, #tpu.memory_space<hbm>> -> memref<8x4096xf32, #tpu.memory_space<hbm>>
    %dma_wait3A_473 = arith.constant 0 : i32
    %dma_wait3A_474 = tpu.memref_slice %arg3[%add3A_193, %dma_wait3A_473] : memref<4096x4096xf32, #tpu.memory_space<hbm>> -> memref<8x4096xf32, #tpu.memory_space<hbm>>
    %dma_wait3A_475 = tpu.memref_reshape %arg4 : memref<8x48x128xf32, #tpu.memory_space<vmem>> -> memref<8x6144xf32, #tpu.memory_space<vmem>>
    %dma_wait3A_476 = arith.constant 0 : i32
    %dma_wait3A_477 = arith.constant 1152 : i32
    %dma_wait3A_478 = tpu.memref_slice %dma_wait3A_475[%dma_wait3A_476, %dma_wait3A_477] : memref<8x6144xf32, #tpu.memory_space<vmem>> -> memref<8x4096xf32, #tpu.memory_space<vmem>>
    tpu.wait_dma2 semaphore(%arg6 : memref<!tpu.dma_semaphore, #tpu.memory_space<semaphore_mem>>) src(%dma_wait3A_478 : memref<8x4096xf32, #tpu.memory_space<vmem>>) dst(%dma_wait3A_474 : memref<8x4096xf32, #tpu.memory_space<hbm>>)
    %dma_wait3A_479 = tpu.memref_reshape %arg4 : memref<8x48x128xf32, #tpu.memory_space<vmem>> -> memref<8x6144xf32, #tpu.memory_space<vmem>>
    %dma_wait3A_480 = arith.constant 0 : i32
    %dma_wait3A_481 = arith.constant 1024 : i32
    %dma_wait3A_482 = tpu.memref_slice %dma_wait3A_479[%dma_wait3A_480, %dma_wait3A_481] : memref<8x6144xf32, #tpu.memory_space<vmem>> -> memref<8x4096xf32, #tpu.memory_space<vmem>>
    %dma_wait3A_483 = arith.constant 0 : i32
    %dma_wait3A_484 = tpu.memref_slice %arg3[%add3A_214, %dma_wait3A_483] : memref<4096x4096xf32, #tpu.memory_space<hbm>> -> memref<8x4096xf32, #tpu.memory_space<hbm>>
    %dma_wait3A_485 = arith.constant 0 : i32
    %dma_wait3A_486 = tpu.memref_slice %arg3[%add3A_214, %dma_wait3A_485] : memref<4096x4096xf32, #tpu.memory_space<hbm>> -> memref<8x4096xf32, #tpu.memory_space<hbm>>
    %dma_wait3A_487 = tpu.memref_reshape %arg4 : memref<8x48x128xf32, #tpu.memory_space<vmem>> -> memref<8x6144xf32, #tpu.memory_space<vmem>>
    %dma_wait3A_488 = arith.constant 0 : i32
    %dma_wait3A_489 = arith.constant 1024 : i32
    %dma_wait3A_490 = tpu.memref_slice %dma_wait3A_487[%dma_wait3A_488, %dma_wait3A_489] : memref<8x6144xf32, #tpu.memory_space<vmem>> -> memref<8x4096xf32, #tpu.memory_space<vmem>>
    tpu.wait_dma2 semaphore(%arg6 : memref<!tpu.dma_semaphore, #tpu.memory_space<semaphore_mem>>) src(%dma_wait3A_490 : memref<8x4096xf32, #tpu.memory_space<vmem>>) dst(%dma_wait3A_486 : memref<8x4096xf32, #tpu.memory_space<hbm>>)
    %dma_wait3A_491 = tpu.memref_reshape %arg4 : memref<8x48x128xf32, #tpu.memory_space<vmem>> -> memref<8x6144xf32, #tpu.memory_space<vmem>>
    %dma_wait3A_492 = arith.constant 0 : i32
    %dma_wait3A_493 = arith.constant 896 : i32
    %dma_wait3A_494 = tpu.memref_slice %dma_wait3A_491[%dma_wait3A_492, %dma_wait3A_493] : memref<8x6144xf32, #tpu.memory_space<vmem>> -> memref<8x4096xf32, #tpu.memory_space<vmem>>
    %dma_wait3A_495 = arith.constant 0 : i32
    %dma_wait3A_496 = tpu.memref_slice %arg3[%add3A_235, %dma_wait3A_495] : memref<4096x4096xf32, #tpu.memory_space<hbm>> -> memref<8x4096xf32, #tpu.memory_space<hbm>>
    %dma_wait3A_497 = arith.constant 0 : i32
    %dma_wait3A_498 = tpu.memref_slice %arg3[%add3A_235, %dma_wait3A_497] : memref<4096x4096xf32, #tpu.memory_space<hbm>> -> memref<8x4096xf32, #tpu.memory_space<hbm>>
    %dma_wait3A_499 = tpu.memref_reshape %arg4 : memref<8x48x128xf32, #tpu.memory_space<vmem>> -> memref<8x6144xf32, #tpu.memory_space<vmem>>
    %dma_wait3A_500 = arith.constant 0 : i32
    %dma_wait3A_501 = arith.constant 896 : i32
    %dma_wait3A_502 = tpu.memref_slice %dma_wait3A_499[%dma_wait3A_500, %dma_wait3A_501] : memref<8x6144xf32, #tpu.memory_space<vmem>> -> memref<8x4096xf32, #tpu.memory_space<vmem>>
    tpu.wait_dma2 semaphore(%arg6 : memref<!tpu.dma_semaphore, #tpu.memory_space<semaphore_mem>>) src(%dma_wait3A_502 : memref<8x4096xf32, #tpu.memory_space<vmem>>) dst(%dma_wait3A_498 : memref<8x4096xf32, #tpu.memory_space<hbm>>)
    %dma_wait3A_503 = tpu.memref_reshape %arg4 : memref<8x48x128xf32, #tpu.memory_space<vmem>> -> memref<8x6144xf32, #tpu.memory_space<vmem>>
    %dma_wait3A_504 = arith.constant 0 : i32
    %dma_wait3A_505 = arith.constant 768 : i32
    %dma_wait3A_506 = tpu.memref_slice %dma_wait3A_503[%dma_wait3A_504, %dma_wait3A_505] : memref<8x6144xf32, #tpu.memory_space<vmem>> -> memref<8x4096xf32, #tpu.memory_space<vmem>>
    %dma_wait3A_507 = arith.constant 0 : i32
    %dma_wait3A_508 = tpu.memref_slice %arg3[%add3A_256, %dma_wait3A_507] : memref<4096x4096xf32, #tpu.memory_space<hbm>> -> memref<8x4096xf32, #tpu.memory_space<hbm>>
    %dma_wait3A_509 = arith.constant 0 : i32
    %dma_wait3A_510 = tpu.memref_slice %arg3[%add3A_256, %dma_wait3A_509] : memref<4096x4096xf32, #tpu.memory_space<hbm>> -> memref<8x4096xf32, #tpu.memory_space<hbm>>
    %dma_wait3A_511 = tpu.memref_reshape %arg4 : memref<8x48x128xf32, #tpu.memory_space<vmem>> -> memref<8x6144xf32, #tpu.memory_space<vmem>>
    %dma_wait3A_512 = arith.constant 0 : i32
    %dma_wait3A_513 = arith.constant 768 : i32
    %dma_wait3A_514 = tpu.memref_slice %dma_wait3A_511[%dma_wait3A_512, %dma_wait3A_513] : memref<8x6144xf32, #tpu.memory_space<vmem>> -> memref<8x4096xf32, #tpu.memory_space<vmem>>
    tpu.wait_dma2 semaphore(%arg6 : memref<!tpu.dma_semaphore, #tpu.memory_space<semaphore_mem>>) src(%dma_wait3A_514 : memref<8x4096xf32, #tpu.memory_space<vmem>>) dst(%dma_wait3A_510 : memref<8x4096xf32, #tpu.memory_space<hbm>>)
    %dma_wait3A_515 = tpu.memref_reshape %arg4 : memref<8x48x128xf32, #tpu.memory_space<vmem>> -> memref<8x6144xf32, #tpu.memory_space<vmem>>
    %dma_wait3A_516 = arith.constant 0 : i32
    %dma_wait3A_517 = arith.constant 640 : i32
    %dma_wait3A_518 = tpu.memref_slice %dma_wait3A_515[%dma_wait3A_516, %dma_wait3A_517] : memref<8x6144xf32, #tpu.memory_space<vmem>> -> memref<8x4096xf32, #tpu.memory_space<vmem>>
    %dma_wait3A_519 = arith.constant 0 : i32
    %dma_wait3A_520 = tpu.memref_slice %arg3[%add3A_277, %dma_wait3A_519] : memref<4096x4096xf32, #tpu.memory_space<hbm>> -> memref<8x4096xf32, #tpu.memory_space<hbm>>
    %dma_wait3A_521 = arith.constant 0 : i32
    %dma_wait3A_522 = tpu.memref_slice %arg3[%add3A_277, %dma_wait3A_521] : memref<4096x4096xf32, #tpu.memory_space<hbm>> -> memref<8x4096xf32, #tpu.memory_space<hbm>>
    %dma_wait3A_523 = tpu.memref_reshape %arg4 : memref<8x48x128xf32, #tpu.memory_space<vmem>> -> memref<8x6144xf32, #tpu.memory_space<vmem>>
    %dma_wait3A_524 = arith.constant 0 : i32
    %dma_wait3A_525 = arith.constant 640 : i32
    %dma_wait3A_526 = tpu.memref_slice %dma_wait3A_523[%dma_wait3A_524, %dma_wait3A_525] : memref<8x6144xf32, #tpu.memory_space<vmem>> -> memref<8x4096xf32, #tpu.memory_space<vmem>>
    tpu.wait_dma2 semaphore(%arg6 : memref<!tpu.dma_semaphore, #tpu.memory_space<semaphore_mem>>) src(%dma_wait3A_526 : memref<8x4096xf32, #tpu.memory_space<vmem>>) dst(%dma_wait3A_522 : memref<8x4096xf32, #tpu.memory_space<hbm>>)
    %dma_wait3A_527 = tpu.memref_reshape %arg4 : memref<8x48x128xf32, #tpu.memory_space<vmem>> -> memref<8x6144xf32, #tpu.memory_space<vmem>>
    %dma_wait3A_528 = arith.constant 0 : i32
    %dma_wait3A_529 = arith.constant 512 : i32
    %dma_wait3A_530 = tpu.memref_slice %dma_wait3A_527[%dma_wait3A_528, %dma_wait3A_529] : memref<8x6144xf32, #tpu.memory_space<vmem>> -> memref<8x4096xf32, #tpu.memory_space<vmem>>
    %dma_wait3A_531 = arith.constant 0 : i32
    %dma_wait3A_532 = tpu.memref_slice %arg3[%add3A_298, %dma_wait3A_531] : memref<4096x4096xf32, #tpu.memory_space<hbm>> -> memref<8x4096xf32, #tpu.memory_space<hbm>>
    %dma_wait3A_533 = arith.constant 0 : i32
    %dma_wait3A_534 = tpu.memref_slice %arg3[%add3A_298, %dma_wait3A_533] : memref<4096x4096xf32, #tpu.memory_space<hbm>> -> memref<8x4096xf32, #tpu.memory_space<hbm>>
    %dma_wait3A_535 = tpu.memref_reshape %arg4 : memref<8x48x128xf32, #tpu.memory_space<vmem>> -> memref<8x6144xf32, #tpu.memory_space<vmem>>
    %dma_wait3A_536 = arith.constant 0 : i32
    %dma_wait3A_537 = arith.constant 512 : i32
    %dma_wait3A_538 = tpu.memref_slice %dma_wait3A_535[%dma_wait3A_536, %dma_wait3A_537] : memref<8x6144xf32, #tpu.memory_space<vmem>> -> memref<8x4096xf32, #tpu.memory_space<vmem>>
    tpu.wait_dma2 semaphore(%arg6 : memref<!tpu.dma_semaphore, #tpu.memory_space<semaphore_mem>>) src(%dma_wait3A_538 : memref<8x4096xf32, #tpu.memory_space<vmem>>) dst(%dma_wait3A_534 : memref<8x4096xf32, #tpu.memory_space<hbm>>)
    %dma_wait3A_539 = tpu.memref_reshape %arg4 : memref<8x48x128xf32, #tpu.memory_space<vmem>> -> memref<8x6144xf32, #tpu.memory_space<vmem>>
    %dma_wait3A_540 = arith.constant 0 : i32
    %dma_wait3A_541 = arith.constant 384 : i32
    %dma_wait3A_542 = tpu.memref_slice %dma_wait3A_539[%dma_wait3A_540, %dma_wait3A_541] : memref<8x6144xf32, #tpu.memory_space<vmem>> -> memref<8x4096xf32, #tpu.memory_space<vmem>>
    %dma_wait3A_543 = arith.constant 0 : i32
    %dma_wait3A_544 = tpu.memref_slice %arg3[%add3A_319, %dma_wait3A_543] : memref<4096x4096xf32, #tpu.memory_space<hbm>> -> memref<8x4096xf32, #tpu.memory_space<hbm>>
    %dma_wait3A_545 = arith.constant 0 : i32
    %dma_wait3A_546 = tpu.memref_slice %arg3[%add3A_319, %dma_wait3A_545] : memref<4096x4096xf32, #tpu.memory_space<hbm>> -> memref<8x4096xf32, #tpu.memory_space<hbm>>
    %dma_wait3A_547 = tpu.memref_reshape %arg4 : memref<8x48x128xf32, #tpu.memory_space<vmem>> -> memref<8x6144xf32, #tpu.memory_space<vmem>>
    %dma_wait3A_548 = arith.constant 0 : i32
    %dma_wait3A_549 = arith.constant 384 : i32
    %dma_wait3A_550 = tpu.memref_slice %dma_wait3A_547[%dma_wait3A_548, %dma_wait3A_549] : memref<8x6144xf32, #tpu.memory_space<vmem>> -> memref<8x4096xf32, #tpu.memory_space<vmem>>
    tpu.wait_dma2 semaphore(%arg6 : memref<!tpu.dma_semaphore, #tpu.memory_space<semaphore_mem>>) src(%dma_wait3A_550 : memref<8x4096xf32, #tpu.memory_space<vmem>>) dst(%dma_wait3A_546 : memref<8x4096xf32, #tpu.memory_space<hbm>>)
    %dma_wait3A_551 = tpu.memref_reshape %arg4 : memref<8x48x128xf32, #tpu.memory_space<vmem>> -> memref<8x6144xf32, #tpu.memory_space<vmem>>
    %dma_wait3A_552 = arith.constant 0 : i32
    %dma_wait3A_553 = arith.constant 256 : i32
    %dma_wait3A_554 = tpu.memref_slice %dma_wait3A_551[%dma_wait3A_552, %dma_wait3A_553] : memref<8x6144xf32, #tpu.memory_space<vmem>> -> memref<8x4096xf32, #tpu.memory_space<vmem>>
    %dma_wait3A_555 = arith.constant 0 : i32
    %dma_wait3A_556 = tpu.memref_slice %arg3[%add3A_340, %dma_wait3A_555] : memref<4096x4096xf32, #tpu.memory_space<hbm>> -> memref<8x4096xf32, #tpu.memory_space<hbm>>
    %dma_wait3A_557 = arith.constant 0 : i32
    %dma_wait3A_558 = tpu.memref_slice %arg3[%add3A_340, %dma_wait3A_557] : memref<4096x4096xf32, #tpu.memory_space<hbm>> -> memref<8x4096xf32, #tpu.memory_space<hbm>>
    %dma_wait3A_559 = tpu.memref_reshape %arg4 : memref<8x48x128xf32, #tpu.memory_space<vmem>> -> memref<8x6144xf32, #tpu.memory_space<vmem>>
    %dma_wait3A_560 = arith.constant 0 : i32
    %dma_wait3A_561 = arith.constant 256 : i32
    %dma_wait3A_562 = tpu.memref_slice %dma_wait3A_559[%dma_wait3A_560, %dma_wait3A_561] : memref<8x6144xf32, #tpu.memory_space<vmem>> -> memref<8x4096xf32, #tpu.memory_space<vmem>>
    tpu.wait_dma2 semaphore(%arg6 : memref<!tpu.dma_semaphore, #tpu.memory_space<semaphore_mem>>) src(%dma_wait3A_562 : memref<8x4096xf32, #tpu.memory_space<vmem>>) dst(%dma_wait3A_558 : memref<8x4096xf32, #tpu.memory_space<hbm>>)
    %dma_wait3A_563 = tpu.memref_reshape %arg4 : memref<8x48x128xf32, #tpu.memory_space<vmem>> -> memref<8x6144xf32, #tpu.memory_space<vmem>>
    %dma_wait3A_564 = arith.constant 0 : i32
    %dma_wait3A_565 = arith.constant 128 : i32
    %dma_wait3A_566 = tpu.memref_slice %dma_wait3A_563[%dma_wait3A_564, %dma_wait3A_565] : memref<8x6144xf32, #tpu.memory_space<vmem>> -> memref<8x4096xf32, #tpu.memory_space<vmem>>
    %dma_wait3A_567 = arith.constant 0 : i32
    %dma_wait3A_568 = tpu.memref_slice %arg3[%add3A_361, %dma_wait3A_567] : memref<4096x4096xf32, #tpu.memory_space<hbm>> -> memref<8x4096xf32, #tpu.memory_space<hbm>>
    %dma_wait3A_569 = arith.constant 0 : i32
    %dma_wait3A_570 = tpu.memref_slice %arg3[%add3A_361, %dma_wait3A_569] : memref<4096x4096xf32, #tpu.memory_space<hbm>> -> memref<8x4096xf32, #tpu.memory_space<hbm>>
    %dma_wait3A_571 = tpu.memref_reshape %arg4 : memref<8x48x128xf32, #tpu.memory_space<vmem>> -> memref<8x6144xf32, #tpu.memory_space<vmem>>
    %dma_wait3A_572 = arith.constant 0 : i32
    %dma_wait3A_573 = arith.constant 128 : i32
    %dma_wait3A_574 = tpu.memref_slice %dma_wait3A_571[%dma_wait3A_572, %dma_wait3A_573] : memref<8x6144xf32, #tpu.memory_space<vmem>> -> memref<8x4096xf32, #tpu.memory_space<vmem>>
    tpu.wait_dma2 semaphore(%arg6 : memref<!tpu.dma_semaphore, #tpu.memory_space<semaphore_mem>>) src(%dma_wait3A_574 : memref<8x4096xf32, #tpu.memory_space<vmem>>) dst(%dma_wait3A_570 : memref<8x4096xf32, #tpu.memory_space<hbm>>)
    %dma_wait3A_575 = tpu.memref_reshape %arg4 : memref<8x48x128xf32, #tpu.memory_space<vmem>> -> memref<8x6144xf32, #tpu.memory_space<vmem>>
    %dma_wait3A_576 = arith.constant 0 : i32
    %dma_wait3A_577 = arith.constant 0 : i32
    %dma_wait3A_578 = tpu.memref_slice %dma_wait3A_575[%dma_wait3A_576, %dma_wait3A_577] : memref<8x6144xf32, #tpu.memory_space<vmem>> -> memref<8x4096xf32, #tpu.memory_space<vmem>>
    %dma_wait3A_579 = arith.constant 0 : i32
    %dma_wait3A_580 = tpu.memref_slice %arg3[%add3A_382, %dma_wait3A_579] : memref<4096x4096xf32, #tpu.memory_space<hbm>> -> memref<8x4096xf32, #tpu.memory_space<hbm>>
    %dma_wait3A_581 = arith.constant 0 : i32
    %dma_wait3A_582 = tpu.memref_slice %arg3[%add3A_382, %dma_wait3A_581] : memref<4096x4096xf32, #tpu.memory_space<hbm>> -> memref<8x4096xf32, #tpu.memory_space<hbm>>
    %dma_wait3A_583 = tpu.memref_reshape %arg4 : memref<8x48x128xf32, #tpu.memory_space<vmem>> -> memref<8x6144xf32, #tpu.memory_space<vmem>>
    %dma_wait3A_584 = arith.constant 0 : i32
    %dma_wait3A_585 = arith.constant 0 : i32
    %dma_wait3A_586 = tpu.memref_slice %dma_wait3A_583[%dma_wait3A_584, %dma_wait3A_585] : memref<8x6144xf32, #tpu.memory_space<vmem>> -> memref<8x4096xf32, #tpu.memory_space<vmem>>
    tpu.wait_dma2 semaphore(%arg6 : memref<!tpu.dma_semaphore, #tpu.memory_space<semaphore_mem>>) src(%dma_wait3A_586 : memref<8x4096xf32, #tpu.memory_space<vmem>>) dst(%dma_wait3A_582 : memref<8x4096xf32, #tpu.memory_space<hbm>>)
    return
  }
}

</mosaic_0001>

<sc_bundles>
// kernel: kernel.3.cloned.1.call-start
scs
__scs_entry_jumppad:
0x0: {  	(pc) =	sbr.rel $0x88, $3  }
0x1: {  	(tag) =	ssettag $0x0;
	lr =	simm.s32 $0x1  }
0x2: {  	[smem:$0x3FA0] =	sst lr;
	_ =	strace $0xD0000000  }
0x3: {  	_ = 	snop  }
0x4: {  	_ = 	snop  }
0x5: {  	_ = 	snop  }
0x6: {  	_ = 	snop  }
0x7: {  	_ = 	snop  }
__scs_overlays_trampoline_lowered:
0x8: {  	[smem:$0x3FAF] =	sst s0  }
0x9: {  	[smem:$0x3FB0] =	sst s1  }
0xa: {  	[smem:$0x3FB1] =	sst s2  }
0xb: {  	[smem:$0x3FB2] =	sst s3  }
0xc: {  	[smem:$0x3FB3] =	sst s4  }
0xd: {  	[smem:$0x3FB4] =	sst s5  }
0xe: {  	[smem:$0x3FB5] =	sst s6  }
0xf: {  	[smem:$0x3FB6] =	sst s7  }
0x10: {  	[smem:$0x3FB7] =	sst s8  }
0x11: {  	[smem:$0x3FB8] =	sst s9;
	s0 =	simm.s32 @!p0 $0x0  }
0x12: {  	s1 =	sld [smem:$0x3F9E];
	s0 =	simm.s32 @p0 $0x1  }
0x13: {  	[smem:$0x3FB9] =	sst s0;
	s0 =	simm.s32 @!p1 $0x0  }
0x14: {  	s2 =	sld [smem:$0x3F9D];
	s0 =	simm.s32 @p1 $0x1  }
0x15: {  	[smem:$0x3FBA] =	sst s0;
	s0 =	simm.s32 @!p2 $0x0  }
0x16: {  	s3 =	sld [smem:$0x3FDB];
	s0 =	simm.s32 @p2 $0x1  }
0x17: {  	s4 =	simm.s32 $0x1BF5;
	[smem:$0x3FBC] =	sst s0  }
0x18: {  	s0 =	sld [smem:$0x3F9F];
	_ =	swait.ge [sflag:s4], $0x0  }
0x19: {  	s7 =	sld [smem:$0x3FA0]  }
0x1a: {  	s8 =	sadd.s32 $0xFFFFE003, lr  }
0x1b: {  	s9 =	sadd.s32 $0xFFFFFEF7, lr;
	s5 =	simm.s32 $0xFFFFFFFF;
	p2 =	slt.u32 s8, $0xFFFFF086  }
0x1c: {  	p1 =	slt.u32 s9, $0xF7A;
	s5 =	simm.s32 @!p2 $0x0  }
0x1d: {  	s5 =	simm.s32 @p1 $0x1;
	p0 =	seq.s32 s7, s2  }
0x1e: {  	s7 =	smul.u32 @!p0 $0xF7A, s2;
	p2 =	seq.s32 @!p0 s5, $0x0  }
0x1f: {  	s9 =	smul.u32 $0xF7A, s1;
	s8 =	simm.s32 @!p0 $0x1BF5;
	p2 =	por !p2, p0  }
0x20: {  	[sflag:s8] =	ssyncset.s32 @!p0 $0xFFFFF086;
	s6 =	sadd.s32 @!p0 s3, s7;
	s7 =	simm.s32 @!p0 $0x108  }
0x21: {  	s3 =	sadd.s32 s3, s9;
	s6 =	sadd.s32 @!p0 $0x88, s6;
	s7 =	simm.s32 @p2 $0x1082  }
0x22: {  	[simem:s7], [sflag:s8] =	dma.local @!p0 [hbm:s6], $0xF7A  }
0x23: {  	s9 =	sor.u32 $0xD0000000, s2;
	s6 =	simm.s32 $0x108;
	_ =	swait.ge @!p0 [sflag:s8], $0x0  }
0x24: {  	s3 =	sadd.s32 $0x88, s3;
	s6 =	simm.s32 @!p1 $0x1082;
	[sflag:s4] =	ssyncset.s32 $0xFFFFF086  }
0x25: {  	[simem:s6], [sflag:s4] =	dma.local [hbm:s3], $0xF7A  }
0x26: {  	[smem:$0x3FA0] =	sst s1;
	(tag) =	ssettag s2;
	_ =	strace s9  }
0x27: {  	s1 =	sld [smem:$0x3FB0]  }
0x28: {  	s2 =	sld [smem:$0x3FB1]  }
0x29: {  	s4 =	sld [smem:$0x3FB3]  }
0x2a: {  	p0 =	seq.s32 s5, $0x0;
	s5 =	sld [smem:$0x3FB4]  }
0x2b: {  	s6 =	sld [smem:$0x3FB5]  }
0x2c: {  	s7 =	sld [smem:$0x3FB6]  }
0x2d: {  	s3 =	simm.s32 $0x108;
	s8 =	sld [smem:$0x3FB7]  }
0x2e: {  	s3 =	simm.s32 @!p0 $0x1082;
	s9 =	sld [smem:$0x3FB8]  }
0x2f: {  	lr =	sadd.s32 s0, s3;
	s0 =	sld [smem:$0x3FAF]  }
0x30: {  	s3 =	sld [smem:$0x3FB2]  }
0x31: {  	[smem:$0x3FBB] =	sst s10  }
0x32: {  	s10 =	sld [smem:$0x3FB9];
	_ =	sdelay $0x3  }
0x33: {  	p0 =	seq.s32 s10, $0x1;
	s10 =	sld [smem:$0x3FBB];
	_ =	sdelay $0x3  }
0x34: {  	[smem:$0x3FBB] =	sst s10  }
0x35: {  	s10 =	sld [smem:$0x3FBA];
	_ =	sdelay $0x3  }
0x36: {  	p1 =	seq.s32 s10, $0x1;
	s10 =	sld [smem:$0x3FBB];
	_ =	sdelay $0x3  }
0x37: {  	[smem:$0x3FBB] =	sst s10  }
0x38: {  	s10 =	sld [smem:$0x3FBC]  }
0x39: {  	_ = 	snop;
	(pc) =	sbr.ind lr, $3  }
0x3a: {  	_ = 	snop  }
0x3b: {  	_ = 	snop  }
0x3c: {  	p2 =	seq.s32 s10, $0x1;
	s10 =	sld [smem:$0x3FBB]  }
0x3d: {  	_ =	shalt  }
0x3e: {  	_ =	shalt  }
0x3f: {  	_ =	shalt  }
0x40: {  	_ =	shalt  }
0x41: {  	_ =	shalt  }
0x42: {  	_ =	shalt  }
0x43: {  	_ =	shalt  }
0x44: {  	_ =	shalt  }
0x45: {  	_ =	shalt  }
0x46: {  	_ =	shalt  }
0x47: {  	_ =	shalt  }
0x48: {  	_ =	shalt  }
0x49: {  	_ =	shalt  }
0x4a: {  	_ =	shalt  }
0x4b: {  	_ =	shalt  }
0x4c: {  	_ =	shalt  }
0x4d: {  	_ =	shalt  }
0x4e: {  	_ =	shalt  }
0x4f: {  	_ =	shalt  }
0x50: {  	_ =	shalt  }
0x51: {  	_ =	shalt  }
0x52: {  	_ =	shalt  }
0x53: {  	_ =	shalt  }
0x54: {  	_ =	shalt  }
0x55: {  	_ =	shalt  }
0x56: {  	_ =	shalt  }
0x57: {  	_ =	shalt  }
0x58: {  	_ =	shalt  }
0x59: {  	_ =	shalt  }
0x5a: {  	_ =	shalt  }
0x5b: {  	_ =	shalt  }
0x5c: {  	_ =	shalt  }
0x5d: {  	_ =	shalt  }
0x5e: {  	_ =	shalt  }
0x5f: {  	_ =	shalt  }
0x60: {  	_ =	shalt  }
0x61: {  	_ =	shalt  }
0x62: {  	_ =	shalt  }
0x63: {  	_ =	shalt  }
0x64: {  	_ =	shalt  }
0x65: {  	_ =	shalt  }
0x66: {  	_ =	shalt  }
0x67: {  	_ =	shalt  }
0x68: {  	_ =	shalt  }
0x69: {  	_ =	shalt  }
0x6a: {  	_ =	shalt  }
0x6b: {  	_ =	shalt  }
0x6c: {  	_ =	shalt  }
0x6d: {  	_ =	shalt  }
0x6e: {  	_ =	shalt  }
0x6f: {  	_ =	shalt  }
0x70: {  	_ =	shalt  }
0x71: {  	_ =	shalt  }
0x72: {  	_ =	shalt  }
0x73: {  	_ =	shalt  }
0x74: {  	_ =	shalt  }
0x75: {  	_ =	shalt  }
0x76: {  	_ =	shalt  }
0x77: {  	_ =	shalt  }
0x78: {  	_ =	shalt  }
0x79: {  	_ =	shalt  }
0x7a: {  	_ =	shalt  }
0x7b: {  	_ =	shalt  }
0x7c: {  	_ =	shalt  }
0x7d: {  	_ =	shalt  }
0x7e: {  	_ =	shalt  }
0x7f: {  	_ =	shalt  }
0x80: {  	_ =	shalt  }
0x81: {  	_ =	shalt  }
0x82: {  	_ =	shalt  }
0x83: {  	_ =	shalt  }
0x84: {  	_ =	shalt  }
0x85: {  	_ =	shalt  }
0x86: {  	_ =	shalt  }
0x87: {  	_ =	shalt  }
.Lfunc_end0:
.L_simem_size_0:
called_computation_lowered:
.L_overlay_start_0:
0x88: {  	s2 =	sld [smem:$0x3FD9]  }
0x89: {  	s3 =	sld [smem:$0x3FFE];
	_ =	sdelay $0x1  }
0x8a: {  	s1 =	srdreg.scid  }
0x8b: {  	s0 =	sand.u32 $0x1, s1  }
0x8c: {  	s17 =	sshll.u32 s0, $0xA;
	s2 =	sadd.s32 s3, s2  }
0x8d: {  	s2 =	sadd.s32 s2, s17  }
0x8e: {  	[smem:$0x3FC7] =	sst s2  }
0x8f: {  	_ = 	snop  }
0x90: {  	s2 =	sld [smem:$0x3FD0];
	(tm) =	ssettm $0x1  }
0x91: {  	s18 =	sld [smem:$0x3FFB];
	_ =	sdelay $0x3  }
0x92: {  	_ =	strace s18  }
0x93: {  	s3 =	sld [smem:$0x3FFC];
	_ =	sdelay $0x3  }
0x94: {  	_ =	strace s3  }
0x95: {  	s3 =	sld [smem:$0x3FFD];
	_ =	sdelay $0x3  }
0x96: {  	_ =	strace s3  }
0x97: {  	_ =	strace $0x8FFFFFFF  }
0x98: {  	s19 =	sld [smem:$0x3FDB];
	_ =	sdelay $0x1  }
0x99: {  	s4 =	simm.s32 $_scs_section_size  }
0x9a: {  	s5 =	simm.s32 $_size__tile_overlayer_lowered;
	s6 =	simm.s32 $_tile_overlayer_lowered  }
0x9b: {  	s22 =	simm.s32 $0x1BFF;
	s21 =	sshll.u32 s6, $0x1;
	s3 =	sadd.s32 s4, s19  }
0x9c: {  	s7 =	simm.s32 $0x0;
	s20 =	sshll.u32 s5, $0x1;
	s5 =	sadd.s32 s21, s3  }
0x9d: {  	[timem:s7], [sflag:s22] =	dma.local [hbm:s5], s20  }
0x9e: {  	_ =	swait.ge [sflag:s22], s20  }
0x9f: {  	s4 =	ssub.s32 $0x0, s20;
	[sflag:s22] =	ssyncset.done $0x0  }
0xa0: {  	[sflag:s22] =	ssyncadd.s32 s4;
	_ =	sdelay $0x1  }
0xa1: {  	s23 =	simm.s32 $0x1B8B  }
0xa2: {  	_ =	swait.ge [sflag:s23], $0x1  }
0xa3: {  	[sflag:s23] =	ssyncset.done $0x0  }
0xa4: {  	s25 =	simm.s32 $0x1B8E;
	s24 =	sld [smem:$0x3FFE];
	[sflag:s23] =	ssyncadd.s32 $0xFFFFFFFF  }
0xa5: {  	s26 =	simm.s32 $execute0_lowered;
	[smem:$0x3FD2] =	sst s25  }
0xa6: {  	s5 =	sshll.u32 s26, $0x1;
	_ =	strace $0x80000046;
	[dreg:$0x1] =	wrdreg $0xFFFFFFFF  }
0xa7: {  	s28 =	simm.s32 $_size_execute0_lowered;
	s3 =	sadd.s32 s3, s5;
	[dreg:$0x0] =	wrdreg $0x0  }
0xa8: {  	s5 =	sshll.u32 s28, $0x1;
	[dreg:$0x2] =	wrdreg s3  }
0xa9: {  	[dreg:$0x3] =	wrdreg s5  }
0xaa: {  	[dreg:$0x4] =	wrdreg $0xC0  }
0xab: {  	_ =	task [dreg:s7], $0x5FFFF  }
0xac: {  	[dreg:$0x1] =	wrdreg $0xFFFFFFFF  }
0xad: {  	[dreg:$0x0] =	wrdreg $0x60  }
0xae: {  	[dreg:$0x2] =	wrdreg s24  }
0xaf: {  	[dreg:$0x3] =	wrdreg s2  }
0xb0: {  	[dreg:$0x4] =	wrdreg $0x9  }
0xb1: {  	_ =	task.clear_ibuf [dreg:s7], $0x5FFFF;
	_ =	strace $0x90000046  }
0xb2: {  	s29 =	simm.s32 $0x9;
	_ =	strace $0x80000048  }
0xb3: {  	_ =	swait.ge [sflag:s29], $0x1  }
0xb4: {  	[sflag:s29] =	ssyncadd.s32 $0xFFFFFFFF  }
0xb5: {  	_ =	strace $0x90000048  }
0xb6: {  	_ =	sfence  }
0xb7: {  	s30 =	sld [smem:$0x0];
	_ =	sdelay $0x2  }
0xb8: {  	s31 =	sshll.u32 s1, $0xD;
	s1 =	sshrl.u32 s1, $0x2  }
0xb9: {  	s3 =	sand.u32 $0x4000, s31;
	s1 =	sadd.s32 s1, s30  }
0xba: {  	s0 =	sor.u32 s3, s0;
	s1 =	sshll.u32 s1, $0x11  }
0xbb: {  	s0 =	sor.u32 s1, s0  }
0xbc: {  	s0 =	sadd.s32 $0x8F2B, s0  }
0xbd: {  	[sflag:s0] =	ssyncadd.remote.s32 $0x1  }
0xbe: {  	_ =	sfence.sel $0xFFFF  }
0xbf: {  	[dreg:$0x0] =	wrdreg $0xFFFFFFFF;
	(pc) =	sbr.abs _section_cstart, $3  }
0xc0: {  	[dreg:$0x1] =	wrdreg $0xFFFFFFFF  }
0xc1: {  	_ =	task.clear_ibuf [dreg:s7], $0x2FFFF;
	_ =	strace $0x9FFFFFFF  }
0xc2: {  	(tm) =	ssettm $0x7FFFFFFF  }
0xc3: {  	_ =	shalt  }
tec
execute0_lowered:
.L_overlay_start_1:
0x0: {  	(tag) =	ssettag $0x1  }
0x1: {  	s18 =	stileid.u32  }
0x2: {  	s0 =	srdreg.scid;
	s5 =	rddreg [dreg:$0x0];
	s1 =	sshll.u32 s18, $0x1  }
0x3: {  	s8 =	rddreg [dreg:$0x2];
	s3 =	sand.u32 $0x1, s0;
	s14 =	sand.u32 $0xE, s1  }
0x4: {  	s21 =	simm.s32 $0x0;
	s2 =	sshrl.u32 s18, $0x3;
	s1 =	sor.u32 s3, s14  }
0x5: {  	[smem:$0x7FF] =	sst s21;
	s4 =	sshll.u32 s2, $0xB;
	s0 =	sshll.u32 s1, $0x10  }
0x6: {  	s15 =	simm.s32 $0x2000;
	s4 =	ssub.s32 s0, s4;
	s0 =	rddreg [dreg:$0x1]  }
0x7: {  	s16 =	simm.s32 $0x780;
	_ =	strace $0x80000047;
	[dreg:$0x4] =	wrdreg s15  }
0x8: {  	s17 =	simm.s32 $0x1F80;
	[dreg:$0x5] =	wrdreg s16  }
0x9: {  	s19 =	simm.s32 $0x3780;
	[dreg:$0x6] =	wrdreg s17  }
0xa: {  	s20 =	simm.s32 $0x4F80;
	[dreg:$0x7] =	wrdreg s19  }
0xb: {  	s22 =	simm.s32 $0x6780;
	[dreg:$0x8] =	wrdreg s20  }
0xc: {  	s23 =	simm.s32 $0x7F80;
	[dreg:$0x9] =	wrdreg s22  }
0xd: {  	s24 =	simm.s32 $0x9780;
	[dreg:$0xa] =	wrdreg s23  }
0xe: {  	s25 =	simm.s32 $0xAF80;
	[dreg:$0xb] =	wrdreg s24  }
0xf: {  	s26 =	simm.s32 $0x700;
	[dreg:$0xc] =	wrdreg s25  }
0x10: {  	s28 =	simm.s32 $0x1F00;
	[dreg:$0xd] =	wrdreg s26  }
0x11: {  	s6 =	simm.s32 $0x4F00;
	[dreg:$0xe] =	wrdreg s28  }
0x12: {  	s7 =	simm.s32 $0x6700;
	[dreg:$0x10] =	wrdreg s6  }
0x13: {  	s9 =	simm.s32 $0x7F00;
	[dreg:$0x11] =	wrdreg s7  }
0x14: {  	s10 =	simm.s32 $0x9700;
	[dreg:$0x12] =	wrdreg s9  }
0x15: {  	s11 =	simm.s32 $0xAF00;
	[dreg:$0x13] =	wrdreg s10  }
0x16: {  	s12 =	simm.s32 $0x680;
	[dreg:$0x14] =	wrdreg s11  }
0x17: {  	s13 =	simm.s32 $0x1E80;
	[dreg:$0x15] =	wrdreg s12  }
0x18: {  	s14 =	simm.s32 $0x3680;
	[dreg:$0x16] =	wrdreg s13  }
0x19: {  	[dreg:$0x17] =	wrdreg s14;
	s15 =	simm.s32 $0x4E80  }
0x1a: {  	s16 =	simm.s32 $0x6680;
	[dreg:$0x18] =	wrdreg s15  }
0x1b: {  	s17 =	simm.s32 $0x7E80;
	[dreg:$0x19] =	wrdreg s16  }
0x1c: {  	s19 =	simm.s32 $0x9680;
	[dreg:$0x1a] =	wrdreg s17  }
0x1d: {  	s20 =	simm.s32 $0xAE80;
	[dreg:$0x1b] =	wrdreg s19  }
0x1e: {  	s22 =	simm.s32 $0x600;
	[dreg:$0x1c] =	wrdreg s20  }
0x1f: {  	s23 =	simm.s32 $0x1E00;
	[dreg:$0x1d] =	wrdreg s22  }
0x20: {  	s24 =	simm.s32 $0x3600;
	[dreg:$0x1e] =	wrdreg s23  }
0x21: {  	s25 =	simm.s32 $0x4E00;
	[dreg:$0x1f] =	wrdreg s24  }
0x22: {  	s26 =	simm.s32 $0x6600;
	[smem:$0x79D] =	sst s25  }
0x23: {  	s28 =	simm.s32 $0x7E00;
	[smem:$0x79E] =	sst s26  }
0x24: {  	s6 =	simm.s32 $0xAE00;
	[smem:$0x79F] =	sst s28  }
0x25: {  	s7 =	simm.s32 $0x580;
	[smem:$0x7A1] =	sst s6  }
0x26: {  	s9 =	simm.s32 $0x1D80;
	[smem:$0x7A2] =	sst s7  }
0x27: {  	s10 =	simm.s32 $0x3580;
	[smem:$0x7A3] =	sst s9  }
0x28: {  	s11 =	simm.s32 $0x4D80;
	[smem:$0x7A4] =	sst s10  }
0x29: {  	s12 =	simm.s32 $0x6580;
	[smem:$0x7A5] =	sst s11  }
0x2a: {  	s13 =	simm.s32 $0x7D80;
	[smem:$0x7A6] =	sst s12  }
0x2b: {  	s14 =	simm.s32 $0x9580;
	[smem:$0x7A7] =	sst s13  }
0x2c: {  	[smem:$0x7A8] =	sst s14;
	s15 =	simm.s32 $0xAD80  }
0x2d: {  	s16 =	simm.s32 $0x500;
	[smem:$0x7A9] =	sst s15  }
0x2e: {  	s17 =	simm.s32 $0x1D00;
	[smem:$0x7AA] =	sst s16  }
0x2f: {  	s19 =	simm.s32 $0x3500;
	[smem:$0x7AB] =	sst s17  }
0x30: {  	s20 =	simm.s32 $0x4D00;
	[smem:$0x7AC] =	sst s19  }
0x31: {  	s22 =	simm.s32 $0x6500;
	[smem:$0x7AD] =	sst s20  }
0x32: {  	s23 =	simm.s32 $0x7D00;
	[smem:$0x7AE] =	sst s22  }
0x33: {  	s24 =	simm.s32 $0x9500;
	[smem:$0x7AF] =	sst s23  }
0x34: {  	s25 =	simm.s32 $0xAD00;
	[smem:$0x7B0] =	sst s24  }
0x35: {  	s26 =	simm.s32 $0x480;
	[smem:$0x7B1] =	sst s25  }
0x36: {  	s28 =	simm.s32 $0x1C80;
	[smem:$0x7B2] =	sst s26  }
0x37: {  	s6 =	simm.s32 $0x4C80;
	[smem:$0x7B3] =	sst s28  }
0x38: {  	s7 =	simm.s32 $0x6480;
	[smem:$0x7B5] =	sst s6  }
0x39: {  	s9 =	simm.s32 $0x7C80;
	[smem:$0x7B6] =	sst s7  }
0x3a: {  	s10 =	simm.s32 $0x9480;
	[smem:$0x7B7] =	sst s9  }
0x3b: {  	s11 =	simm.s32 $0xAC80;
	[smem:$0x7B8] =	sst s10  }
0x3c: {  	s12 =	simm.s32 $0x1C00;
	[smem:$0x7B9] =	sst s11  }
0x3d: {  	s13 =	simm.s32 $0x3400;
	[smem:$0x7BA] =	sst s12  }
0x3e: {  	s14 =	simm.s32 $0x4C00;
	[smem:$0x7BB] =	sst s13  }
0x3f: {  	[smem:$0x7BC] =	sst s14;
	s15 =	simm.s32 $0x6400  }
0x40: {  	s16 =	simm.s32 $0x7C00;
	[smem:$0x7BD] =	sst s15  }
0x41: {  	s17 =	simm.s32 $0x9400;
	[smem:$0x7BE] =	sst s16  }
0x42: {  	s19 =	simm.s32 $0xAC00;
	[smem:$0x7BF] =	sst s17  }
0x43: {  	s20 =	simm.s32 $0x380;
	[smem:$0x7C0] =	sst s19  }
0x44: {  	s22 =	simm.s32 $0x1B80;
	[smem:$0x7C1] =	sst s20  }
0x45: {  	s23 =	simm.s32 $0x3380;
	[smem:$0x7C2] =	sst s22  }
0x46: {  	s24 =	simm.s32 $0x4B80;
	[smem:$0x7C3] =	sst s23  }
0x47: {  	s25 =	simm.s32 $0x6380;
	[smem:$0x7C4] =	sst s24  }
0x48: {  	s26 =	simm.s32 $0x7B80;
	[smem:$0x7C5] =	sst s25  }
0x49: {  	s28 =	simm.s32 $0x9380;
	[smem:$0x7C6] =	sst s26  }
0x4a: {  	s6 =	simm.s32 $0x300;
	[smem:$0x7C7] =	sst s28  }
0x4b: {  	s7 =	simm.s32 $0x1B00;
	[smem:$0x7C9] =	sst s6  }
0x4c: {  	s9 =	simm.s32 $0x3300;
	[smem:$0x7CA] =	sst s7  }
0x4d: {  	s10 =	simm.s32 $0x4B00;
	[smem:$0x7CB] =	sst s9  }
0x4e: {  	s11 =	simm.s32 $0x6300;
	[smem:$0x7CC] =	sst s10  }
0x4f: {  	s12 =	simm.s32 $0x7B00;
	[smem:$0x7CD] =	sst s11  }
0x50: {  	s4 =	sadd.s32 $0x800, s4;
	s13 =	simm.s32 $0x9300;
	[smem:$0x7CE] =	sst s12  }
0x51: {  	s4 =	sshrl.u32 s4, $0x3;
	s14 =	simm.s32 $0xAB00;
	[smem:$0x7CF] =	sst s13  }
0x52: {  	s4 =	sadd.s32 s4, s5;
	s5 =	simm.s32 $0x3700;
	[smem:$0x7D0] =	sst s14  }
0x53: {  	s15 =	simm.s32 $0x280;
	[dreg:$0xf] =	wrdreg s5  }
0x54: {  	s16 =	simm.s32 $0x1A80;
	[smem:$0x7D1] =	sst s15  }
0x55: {  	s17 =	simm.s32 $0x3280;
	[smem:$0x7D2] =	sst s16  }
0x56: {  	s19 =	simm.s32 $0x4A80;
	[smem:$0x7D3] =	sst s17  }
0x57: {  	s20 =	simm.s32 $0x6280;
	[smem:$0x7D4] =	sst s19  }
0x58: {  	s22 =	simm.s32 $0x7A80;
	[smem:$0x7D5] =	sst s20  }
0x59: {  	s23 =	simm.s32 $0x9280;
	[smem:$0x7D6] =	sst s22  }
0x5a: {  	s24 =	simm.s32 $0xAA80;
	[smem:$0x7D7] =	sst s23  }
0x5b: {  	s25 =	simm.s32 $0x200;
	[smem:$0x7D8] =	sst s24  }
0x5c: {  	s26 =	simm.s32 $0x1A00;
	[smem:$0x7D9] =	sst s25  }
0x5d: {  	s28 =	simm.s32 $0x3200;
	[smem:$0x7DA] =	sst s26  }
0x5e: {  	s6 =	simm.s32 $0x6200;
	[smem:$0x7DB] =	sst s28  }
0x5f: {  	s7 =	simm.s32 $0x7A00;
	[smem:$0x7DD] =	sst s6  }
0x60: {  	s9 =	simm.s32 $0x9200;
	[smem:$0x7DE] =	sst s7  }
0x61: {  	s10 =	simm.s32 $0xAA00;
	[smem:$0x7DF] =	sst s9  }
0x62: {  	s11 =	simm.s32 $0x180;
	[smem:$0x7E0] =	sst s10  }
0x63: {  	s13 =	simm.s32 $0x1980;
	[smem:$0x7E1] =	sst s11  }
0x64: {  	s14 =	simm.s32 $0x3180;
	[smem:$0x7E2] =	sst s13  }
0x65: {  	s4 =	sadd.s32 $0x400, s4;
	[smem:$0x7E3] =	sst s14  }
0x66: {  	s5 =	simm.s32 $0x9600;
	[dreg:$0x3] =	wrdreg s4  }
0x67: {  	s15 =	simm.s32 $0x4980;
	[smem:$0x7A0] =	sst s5  }
0x68: {  	s16 =	simm.s32 $0x6180;
	[smem:$0x7E4] =	sst s15  }
0x69: {  	s19 =	simm.s32 $0x7980;
	[smem:$0x7E5] =	sst s16  }
0x6a: {  	s20 =	simm.s32 $0x9180;
	[smem:$0x7E6] =	sst s19  }
0x6b: {  	s22 =	simm.s32 $0xA980;
	[smem:$0x7E7] =	sst s20  }
0x6c: {  	s23 =	simm.s32 $0x100;
	[smem:$0x7E8] =	sst s22  }
0x6d: {  	s24 =	simm.s32 $0x1900;
	[smem:$0x7E9] =	sst s23  }
0x6e: {  	s2 =	sshll.u32 s2, $0x14;
	s26 =	simm.s32 $0x3100;
	[smem:$0x7EA] =	sst s24  }
0x6f: {  	s3 =	ssub.s32 $0x2, s3;
	s28 =	simm.s32 $0x4900;
	[smem:$0x7EB] =	sst s26  }
0x70: {  	s1 =	sshll.u32 s1, $0xC;
	s6 =	simm.s32 $0xA900;
	[smem:$0x7EC] =	sst s28  }
0x71: {  	s12 =	sshrl.u32 s3, $0x1;
	s7 =	simm.s32 $0x1880;
	[smem:$0x7F0] =	sst s6  }
0x72: {  	s3 =	ssub.s32 s3, s12;
	s12 =	simm.s32 $0x3080;
	[smem:$0x7F1] =	sst s7  }
0x73: {  	s17 =	sadd.s32 s0, s2;
	s14 =	simm.s32 $0x4880;
	[smem:$0x7F2] =	sst s12  }
0x74: {  	s5 =	simm.s32 $0x3480;
	s9 =	sadd.s32 s1, s17;
	[smem:$0x7F3] =	sst s14  }
0x75: {  	s1 =	sor.u32 s2, s1;
	s2 =	simm.s32 $0x6100;
	[smem:$0x7B4] =	sst s5  }
0x76: {  	s4 =	simm.s32 $0x7900;
	[smem:$0x7ED] =	sst s2  }
0x77: {  	p0 =	por $0x0, $0x0;
	s22 =	simm.s32 $0x6080;
	[smem:$0x7EE] =	sst s4  }
0x78: {  	s23 =	simm.s32 $0x7880;
	s24 =	simm.s32 $0x9080;
	[smem:$0x7F4] =	sst s22  }
0x79: {  	s28 =	simm.s32 $0xA880;
	s6 =	simm.s32 $0x7800;
	[smem:$0x7F5] =	sst s23  }
0x7a: {  	s12 =	simm.s32 $0x9000;
	s5 =	simm.s32 $0xAB80;
	[smem:$0x7F6] =	sst s24  }
0x7b: {  	s0 =	sadd.s32 s1, s0;
	[smem:$0x7F7] =	sst s28;
	s1 =	simm.s32 $0x3000  }
0x7c: {  	s2 =	smax.u32 s3, $0x1;
	s3 =	simm.s32 $0x4800;
	[smem:$0x7FB] =	sst s6  }
0x7d: {  	s24 =	simm.s32 $0x1800;
	s23 =	simm.s32 $0x1;
	[smem:$0x7FC] =	sst s12  }
0x7e: {  	s6 =	simm.s32 $0x400;
	s28 =	simm.s32 $0xA800;
	s30 =	rddreg [dreg:$0x3]  }
0x7f: {  	[smem:$0x7C8] =	sst s5;
	s5 =	simm.s32 $0x4A00;
	s25 =	sadd.s32 $0x10000, s0  }
0x80: {  	s11 =	sadd.s32 $0x20000, s0;
	s19 =	sadd.s32 $0x30000, s0;
	s10 =	sadd.s32 $0x40000, s0  }
0x81: {  	s17 =	sadd.s32 $0x50000, s0;
	s20 =	sadd.s32 $0x60000, s0;
	s15 =	sadd.s32 $0x70000, s0  }
0x82: {  	s13 =	sadd.s32 $0x80000, s0;
	s26 =	sadd.s32 $0x90000, s0;
	s16 =	sadd.s32 $0xA0000, s0  }
0x83: {  	s4 =	sadd.s32 $0xB0000, s0;
	[smem:$0x7F8] =	sst s1;
	p1 =	sne.s32 s2, $0x1  }
.Ltmp0:
0x84: {  	s7 =	sadd.s32 $0xC0000, s0;
	[smem:$0x7F9] =	sst s3;
	(pc) =	sbr.rel @!p1 .LBB2_5-.Ltmp0, $4  }
0x85: {  	s14 =	sadd.s32 $0xD0000, s0;
	s22 =	sadd.s32 $0xE0000, s0;
	[smem:$0x7FD] =	sst s28  }
0x86: {  	s31 =	sadd.s32 $0xF0000, s0;
	[smem:$0x7DC] =	sst s5;
	s5 =	simm.s32 $0x9100  }
0x87: {  	s3 =	simm.s32 $0x2;
	[smem:$0x7EF] =	sst s5;
	s5 =	simm.s32 $0x6000  }
0x88: {  	s29 =	sadd.s32 $0xFFFFFFFF, s2;
	[smem:$0x7FA] =	sst s5;
	s5 =	simm.s32 $0x80  }
0x89: {  	s0 =	rddreg [dreg:$0x4]  }
0x8a: {  	[tilespmem:s21], [sflag:$0x1] =	stream.strided.gather [hbm4b:s30+s24], $0xC000, s0, s24, $0x38;
	[tilespmem:$0xC000] =	vst v63  }
0x8b: {  	_ =	swait.ge [sflag:s23], $0xC000  }
0x8c: {  	s12 =	rddreg [dreg:$0x5]  }
0x8d: {  	s1 =	rddreg [dreg:$0x6]  }
0x8e: {  	s2 =	sadd.s32 $0x10, s9;
	s18 =	rddreg [dreg:$0x7]  }
0x8f: {  	[smem:$0x732] =	sst s2  }
0x90: {  	s8 =	rddreg [dreg:$0x8]  }
0x91: {  	[smem:$0x78B] =	sst s4  }
0x92: {  	[smem:$0x78D] =	sst s7  }
0x93: {  	[smem:$0x790] =	sst s13  }
0x94: {  	[smem:$0x791] =	sst s20  }
0x95: {  	[smem:$0x792] =	sst s9  }
0x96: {  	[smem:$0x794] =	sst s16  }
0x97: {  	[smem:$0x795] =	sst s10  }
0x98: {  	[smem:$0x797] =	sst s26  }
0x99: {  	[smem:$0x798] =	sst s11  }
0x9a: {  	[sflag:s23] =	ssyncset.done $0x0;
	[smem:$0x79A] =	sst s15  }
0x9b: {  	[smem:$0x79B] =	sst s14;
	[sflag:s23] =	ssyncadd.s32 $0xFFFF4000  }
0x9c: {  	[hbm4b:s9+s5] =	stream.strided.scatter [tilespmem:s12], [sflag:$0x2], $0x1000, s6, s5, $0x38;
	[tilespmem:$0xC000] =	vst v63  }
0x9d: {  	[smem:$0x79C] =	sst s17;
	s12 =	sadd.s32 $0x30, s9  }
0x9e: {  	[hbm4b:s2+s5] =	stream.strided.scatter [tilespmem:s1], [sflag:$0x2], $0x1000, s6, s5, $0x38;
	[tilespmem:$0xC000] =	vst v63  }
0x9f: {  	[smem:$0x734] =	sst s12;
	s1 =	sadd.s32 $0x20, s9  }
0xa0: {  	s2 =	sadd.s32 $0x50, s7;
	[smem:$0x733] =	sst s1  }
0xa1: {  	[smem:$0x78A] =	sst s2  }
0xa2: {  	[hbm4b:s1+s5] =	stream.strided.scatter [tilespmem:s18], [sflag:$0x2], $0x1000, s6, s5, $0x38;
	[tilespmem:$0xC000] =	vst v63  }
0xa3: {  	s18 =	rddreg [dreg:$0x9];
	s1 =	sadd.s32 $0x40, s9  }
0xa4: {  	[smem:$0x735] =	sst s1  }
0xa5: {  	[hbm4b:s12+s5] =	stream.strided.scatter [tilespmem:s8], [sflag:$0x2], $0x1000, s6, s5, $0x38;
	[tilespmem:$0xC000] =	vst v63  }
0xa6: {  	s8 =	rddreg [dreg:$0xa];
	s12 =	sadd.s32 $0x50, s9  }
0xa7: {  	[smem:$0x736] =	sst s12  }
0xa8: {  	[hbm4b:s1+s5] =	stream.strided.scatter [tilespmem:s18], [sflag:$0x2], $0x1000, s6, s5, $0x38;
	[tilespmem:$0xC000] =	vst v63  }
0xa9: {  	s18 =	rddreg [dreg:$0xb];
	s1 =	sadd.s32 $0x60, s9  }
0xaa: {  	[smem:$0x737] =	sst s1  }
0xab: {  	[hbm4b:s12+s5] =	stream.strided.scatter [tilespmem:s8], [sflag:$0x2], $0x1000, s6, s5, $0x38;
	[tilespmem:$0xC000] =	vst v63  }
0xac: {  	s8 =	rddreg [dreg:$0xc]  }
0xad: {  	s12 =	sadd.s32 $0x70, s9;
	s9 =	sld [smem:$0x7EF]  }
0xae: {  	[smem:$0x738] =	sst s12  }
0xaf: {  	[hbm4b:s1+s5] =	stream.strided.scatter [tilespmem:s18], [sflag:$0x2], $0x1000, s6, s5, $0x38;
	[tilespmem:$0xC000] =	vst v63  }
0xb0: {  	s18 =	rddreg [dreg:$0xd];
	s1 =	sadd.s32 $0x20, s25  }
0xb1: {  	[smem:$0x73A] =	sst s1  }
0xb2: {  	[hbm4b:s12+s5] =	stream.strided.scatter [tilespmem:s8], [sflag:$0x2], $0x1000, s6, s5, $0x38;
	[tilespmem:$0xC000] =	vst v63  }
0xb3: {  	s8 =	rddreg [dreg:$0xe];
	s12 =	sadd.s32 $0x10, s25  }
0xb4: {  	[smem:$0x739] =	sst s12  }
0xb5: {  	[hbm4b:s25+s5] =	stream.strided.scatter [tilespmem:s18], [sflag:$0x2], $0x1000, s6, s5, $0x38;
	[tilespmem:$0xC000] =	vst v63  }
0xb6: {  	s18 =	rddreg [dreg:$0xf]  }
0xb7: {  	[hbm4b:s12+s5] =	stream.strided.scatter [tilespmem:s8], [sflag:$0x2], $0x1000, s6, s5, $0x38;
	[tilespmem:$0xC000] =	vst v63  }
0xb8: {  	s8 =	rddreg [dreg:$0x10];
	s12 =	sadd.s32 $0x30, s25  }
0xb9: {  	[smem:$0x73B] =	sst s12  }
0xba: {  	[hbm4b:s1+s5] =	stream.strided.scatter [tilespmem:s18], [sflag:$0x2], $0x1000, s6, s5, $0x38;
	[tilespmem:$0xC000] =	vst v63  }
0xbb: {  	s18 =	rddreg [dreg:$0x11];
	s1 =	sadd.s32 $0x40, s25  }
0xbc: {  	[smem:$0x73C] =	sst s1  }
0xbd: {  	[hbm4b:s12+s5] =	stream.strided.scatter [tilespmem:s8], [sflag:$0x2], $0x1000, s6, s5, $0x38;
	[tilespmem:$0xC000] =	vst v63  }
0xbe: {  	s8 =	rddreg [dreg:$0x12];
	s12 =	sadd.s32 $0x50, s25  }
0xbf: {  	[smem:$0x73D] =	sst s12  }
0xc0: {  	[hbm4b:s1+s5] =	stream.strided.scatter [tilespmem:s18], [sflag:$0x2], $0x1000, s6, s5, $0x38;
	[tilespmem:$0xC000] =	vst v63  }
0xc1: {  	s18 =	rddreg [dreg:$0x13];
	s1 =	sadd.s32 $0x60, s25  }
0xc2: {  	[smem:$0x73E] =	sst s1  }
0xc3: {  	[hbm4b:s12+s5] =	stream.strided.scatter [tilespmem:s8], [sflag:$0x2], $0x1000, s6, s5, $0x38;
	[tilespmem:$0xC000] =	vst v63  }
0xc4: {  	s8 =	rddreg [dreg:$0x14];
	s12 =	sadd.s32 $0x70, s25  }
0xc5: {  	[smem:$0x73F] =	sst s12  }
0xc6: {  	[hbm4b:s1+s5] =	stream.strided.scatter [tilespmem:s18], [sflag:$0x2], $0x1000, s6, s5, $0x38;
	[tilespmem:$0xC000] =	vst v63  }
0xc7: {  	s18 =	rddreg [dreg:$0x15];
	s1 =	sadd.s32 $0x20, s11  }
0xc8: {  	[smem:$0x741] =	sst s1  }
0xc9: {  	[hbm4b:s12+s5] =	stream.strided.scatter [tilespmem:s8], [sflag:$0x2], $0x1000, s6, s5, $0x38;
	[tilespmem:$0xC000] =	vst v63  }
0xca: {  	s8 =	rddreg [dreg:$0x16];
	s12 =	sadd.s32 $0x10, s11  }
0xcb: {  	[smem:$0x740] =	sst s12  }
0xcc: {  	[hbm4b:s11+s5] =	stream.strided.scatter [tilespmem:s18], [sflag:$0x2], $0x1000, s6, s5, $0x38;
	[tilespmem:$0xC000] =	vst v63  }
0xcd: {  	s18 =	rddreg [dreg:$0x17]  }
0xce: {  	[hbm4b:s12+s5] =	stream.strided.scatter [tilespmem:s8], [sflag:$0x2], $0x1000, s6, s5, $0x38;
	[tilespmem:$0xC000] =	vst v63  }
0xcf: {  	s8 =	rddreg [dreg:$0x18];
	s12 =	sadd.s32 $0x30, s11  }
0xd0: {  	[smem:$0x742] =	sst s12  }
0xd1: {  	[hbm4b:s1+s5] =	stream.strided.scatter [tilespmem:s18], [sflag:$0x2], $0x1000, s6, s5, $0x38;
	[tilespmem:$0xC000] =	vst v63  }
0xd2: {  	s18 =	rddreg [dreg:$0x19];
	s1 =	sadd.s32 $0x40, s11  }
0xd3: {  	[smem:$0x743] =	sst s1  }
0xd4: {  	[hbm4b:s12+s5] =	stream.strided.scatter [tilespmem:s8], [sflag:$0x2], $0x1000, s6, s5, $0x38;
	[tilespmem:$0xC000] =	vst v63  }
0xd5: {  	s8 =	rddreg [dreg:$0x1a];
	s12 =	sadd.s32 $0x50, s11  }
0xd6: {  	[smem:$0x744] =	sst s12  }
0xd7: {  	[hbm4b:s1+s5] =	stream.strided.scatter [tilespmem:s18], [sflag:$0x2], $0x1000, s6, s5, $0x38;
	[tilespmem:$0xC000] =	vst v63  }
0xd8: {  	s18 =	rddreg [dreg:$0x1b];
	s1 =	sadd.s32 $0x60, s11  }
0xd9: {  	[smem:$0x745] =	sst s1  }
0xda: {  	[hbm4b:s12+s5] =	stream.strided.scatter [tilespmem:s8], [sflag:$0x2], $0x1000, s6, s5, $0x38;
	[tilespmem:$0xC000] =	vst v63  }
0xdb: {  	s8 =	rddreg [dreg:$0x1c]  }
0xdc: {  	s12 =	sadd.s32 $0x70, s11;
	s11 =	sld [smem:$0x7F0]  }
0xdd: {  	[smem:$0x746] =	sst s12  }
0xde: {  	[hbm4b:s1+s5] =	stream.strided.scatter [tilespmem:s18], [sflag:$0x2], $0x1000, s6, s5, $0x38;
	[tilespmem:$0xC000] =	vst v63  }
0xdf: {  	s18 =	rddreg [dreg:$0x1d];
	s1 =	sadd.s32 $0x20, s19  }
0xe0: {  	[smem:$0x748] =	sst s1  }
0xe1: {  	[hbm4b:s12+s5] =	stream.strided.scatter [tilespmem:s8], [sflag:$0x2], $0x1000, s6, s5, $0x38;
	[tilespmem:$0xC000] =	vst v63  }
0xe2: {  	s8 =	rddreg [dreg:$0x1e];
	s12 =	sadd.s32 $0x10, s19  }
0xe3: {  	[smem:$0x747] =	sst s12  }
0xe4: {  	[hbm4b:s19+s5] =	stream.strided.scatter [tilespmem:s18], [sflag:$0x2], $0x1000, s6, s5, $0x38;
	[tilespmem:$0xC000] =	vst v63  }
0xe5: {  	s18 =	rddreg [dreg:$0x1f]  }
0xe6: {  	[hbm4b:s12+s5] =	stream.strided.scatter [tilespmem:s8], [sflag:$0x2], $0x1000, s6, s5, $0x38;
	[tilespmem:$0xC000] =	vst v63  }
0xe7: {  	s8 =	sld [smem:$0x79D];
	s12 =	sadd.s32 $0x30, s19  }
0xe8: {  	[smem:$0x749] =	sst s12  }
0xe9: {  	[hbm4b:s1+s5] =	stream.strided.scatter [tilespmem:s18], [sflag:$0x2], $0x1000, s6, s5, $0x38;
	[tilespmem:$0xC000] =	vst v63  }
0xea: {  	s18 =	sld [smem:$0x79E];
	s1 =	sadd.s32 $0x40, s19  }
0xeb: {  	[smem:$0x74A] =	sst s1  }
0xec: {  	[hbm4b:s12+s5] =	stream.strided.scatter [tilespmem:s8], [sflag:$0x2], $0x1000, s6, s5, $0x38;
	[tilespmem:$0xC000] =	vst v63  }
0xed: {  	s8 =	sld [smem:$0x79F];
	s12 =	sadd.s32 $0x50, s19  }
0xee: {  	[smem:$0x74B] =	sst s12  }
0xef: {  	[hbm4b:s1+s5] =	stream.strided.scatter [tilespmem:s18], [sflag:$0x2], $0x1000, s6, s5, $0x38;
	[tilespmem:$0xC000] =	vst v63  }
0xf0: {  	s18 =	sld [smem:$0x7A0];
	s1 =	sadd.s32 $0x60, s19  }
0xf1: {  	[smem:$0x74C] =	sst s1  }
0xf2: {  	[hbm4b:s12+s5] =	stream.strided.scatter [tilespmem:s8], [sflag:$0x2], $0x1000, s6, s5, $0x38;
	[tilespmem:$0xC000] =	vst v63  }
0xf3: {  	s8 =	sld [smem:$0x7A1];
	s12 =	sadd.s32 $0x70, s19  }
0xf4: {  	[smem:$0x74D] =	sst s12  }
0xf5: {  	[hbm4b:s1+s5] =	stream.strided.scatter [tilespmem:s18], [sflag:$0x2], $0x1000, s6, s5, $0x38;
	[tilespmem:$0xC000] =	vst v63  }
0xf6: {  	s18 =	sld [smem:$0x7A2];
	s1 =	sadd.s32 $0x20, s10  }
0xf7: {  	[smem:$0x74F] =	sst s1  }
0xf8: {  	[hbm4b:s12+s5] =	stream.strided.scatter [tilespmem:s8], [sflag:$0x2], $0x1000, s6, s5, $0x38;
	[tilespmem:$0xC000] =	vst v63  }
0xf9: {  	s8 =	sld [smem:$0x7A3];
	s12 =	sadd.s32 $0x10, s10  }
0xfa: {  	[smem:$0x74E] =	sst s12  }
0xfb: {  	[hbm4b:s10+s5] =	stream.strided.scatter [tilespmem:s18], [sflag:$0x2], $0x1000, s6, s5, $0x38;
	[tilespmem:$0xC000] =	vst v63  }
0xfc: {  	s18 =	sld [smem:$0x7A4]  }
0xfd: {  	[hbm4b:s12+s5] =	stream.strided.scatter [tilespmem:s8], [sflag:$0x2], $0x1000, s6, s5, $0x38;
	[tilespmem:$0xC000] =	vst v63  }
0xfe: {  	s8 =	sld [smem:$0x7A5];
	s12 =	sadd.s32 $0x30, s10  }
0xff: {  	[smem:$0x750] =	sst s12  }
0x100: {  	[hbm4b:s1+s5] =	stream.strided.scatter [tilespmem:s18], [sflag:$0x2], $0x1000, s6, s5, $0x38;
	[tilespmem:$0xC000] =	vst v63  }
0x101: {  	s18 =	sld [smem:$0x7A6];
	s1 =	sadd.s32 $0x40, s10  }
0x102: {  	[smem:$0x751] =	sst s1  }
0x103: {  	[hbm4b:s12+s5] =	stream.strided.scatter [tilespmem:s8], [sflag:$0x2], $0x1000, s6, s5, $0x38;
	[tilespmem:$0xC000] =	vst v63  }
0x104: {  	s8 =	sld [smem:$0x7A7];
	s12 =	sadd.s32 $0x50, s10  }
0x105: {  	[smem:$0x752] =	sst s12  }
0x106: {  	[hbm4b:s1+s5] =	stream.strided.scatter [tilespmem:s18], [sflag:$0x2], $0x1000, s6, s5, $0x38;
	[tilespmem:$0xC000] =	vst v63  }
0x107: {  	s18 =	sld [smem:$0x7A8];
	s1 =	sadd.s32 $0x60, s10  }
0x108: {  	[smem:$0x753] =	sst s1  }
0x109: {  	[hbm4b:s12+s5] =	stream.strided.scatter [tilespmem:s8], [sflag:$0x2], $0x1000, s6, s5, $0x38;
	[tilespmem:$0xC000] =	vst v63  }
0x10a: {  	s8 =	sld [smem:$0x7A9];
	s12 =	sadd.s32 $0x70, s10  }
0x10b: {  	[smem:$0x754] =	sst s12  }
0x10c: {  	[hbm4b:s1+s5] =	stream.strided.scatter [tilespmem:s18], [sflag:$0x2], $0x1000, s6, s5, $0x38;
	[tilespmem:$0xC000] =	vst v63  }
0x10d: {  	s18 =	sld [smem:$0x7AA];
	s1 =	sadd.s32 $0x20, s17  }
0x10e: {  	[smem:$0x756] =	sst s1  }
0x10f: {  	[hbm4b:s12+s5] =	stream.strided.scatter [tilespmem:s8], [sflag:$0x2], $0x1000, s6, s5, $0x38;
	[tilespmem:$0xC000] =	vst v63  }
0x110: {  	s8 =	sld [smem:$0x7AB];
	s12 =	sadd.s32 $0x10, s17  }
0x111: {  	[smem:$0x755] =	sst s12  }
0x112: {  	[hbm4b:s17+s5] =	stream.strided.scatter [tilespmem:s18], [sflag:$0x2], $0x1000, s6, s5, $0x38;
	[tilespmem:$0xC000] =	vst v63  }
0x113: {  	s18 =	sld [smem:$0x7AC]  }
0x114: {  	[hbm4b:s12+s5] =	stream.strided.scatter [tilespmem:s8], [sflag:$0x2], $0x1000, s6, s5, $0x38;
	[tilespmem:$0xC000] =	vst v63  }
0x115: {  	s8 =	sld [smem:$0x7AD];
	s12 =	sadd.s32 $0x30, s17  }
0x116: {  	[smem:$0x757] =	sst s12  }
0x117: {  	[hbm4b:s1+s5] =	stream.strided.scatter [tilespmem:s18], [sflag:$0x2], $0x1000, s6, s5, $0x38;
	[tilespmem:$0xC000] =	vst v63  }
0x118: {  	s18 =	sld [smem:$0x7AE];
	s1 =	sadd.s32 $0x40, s17  }
0x119: {  	[smem:$0x758] =	sst s1  }
0x11a: {  	[hbm4b:s12+s5] =	stream.strided.scatter [tilespmem:s8], [sflag:$0x2], $0x1000, s6, s5, $0x38;
	[tilespmem:$0xC000] =	vst v63  }
0x11b: {  	s8 =	sld [smem:$0x7AF];
	s12 =	sadd.s32 $0x50, s17  }
0x11c: {  	[smem:$0x759] =	sst s12  }
0x11d: {  	[hbm4b:s1+s5] =	stream.strided.scatter [tilespmem:s18], [sflag:$0x2], $0x1000, s6, s5, $0x38;
	[tilespmem:$0xC000] =	vst v63  }
0x11e: {  	s18 =	sld [smem:$0x7B0];
	s1 =	sadd.s32 $0x60, s17  }
0x11f: {  	[smem:$0x75A] =	sst s1  }
0x120: {  	[hbm4b:s12+s5] =	stream.strided.scatter [tilespmem:s8], [sflag:$0x2], $0x1000, s6, s5, $0x38;
	[tilespmem:$0xC000] =	vst v63  }
0x121: {  	s8 =	sld [smem:$0x7B1];
	s12 =	sadd.s32 $0x70, s17  }
0x122: {  	[smem:$0x75B] =	sst s12  }
0x123: {  	[hbm4b:s1+s5] =	stream.strided.scatter [tilespmem:s18], [sflag:$0x2], $0x1000, s6, s5, $0x38;
	[tilespmem:$0xC000] =	vst v63  }
0x124: {  	s18 =	sld [smem:$0x7B2];
	s1 =	sadd.s32 $0x20, s20  }
0x125: {  	[smem:$0x75D] =	sst s1  }
0x126: {  	[hbm4b:s12+s5] =	stream.strided.scatter [tilespmem:s8], [sflag:$0x2], $0x1000, s6, s5, $0x38;
	[tilespmem:$0xC000] =	vst v63  }
0x127: {  	s8 =	sld [smem:$0x7B3];
	s12 =	sadd.s32 $0x10, s20  }
0x128: {  	[smem:$0x75C] =	sst s12  }
0x129: {  	[hbm4b:s20+s5] =	stream.strided.scatter [tilespmem:s18], [sflag:$0x2], $0x1000, s6, s5, $0x38;
	[tilespmem:$0xC000] =	vst v63  }
0x12a: {  	s18 =	sld [smem:$0x7B4]  }
0x12b: {  	[hbm4b:s12+s5] =	stream.strided.scatter [tilespmem:s8], [sflag:$0x2], $0x1000, s6, s5, $0x38;
	[tilespmem:$0xC000] =	vst v63  }
0x12c: {  	s8 =	sld [smem:$0x7B5];
	s12 =	sadd.s32 $0x30, s20  }
0x12d: {  	[smem:$0x75E] =	sst s12  }
0x12e: {  	[hbm4b:s1+s5] =	stream.strided.scatter [tilespmem:s18], [sflag:$0x2], $0x1000, s6, s5, $0x38;
	[tilespmem:$0xC000] =	vst v63  }
0x12f: {  	s18 =	sld [smem:$0x7B6];
	s1 =	sadd.s32 $0x40, s20  }
0x130: {  	[smem:$0x75F] =	sst s1  }
0x131: {  	[hbm4b:s12+s5] =	stream.strided.scatter [tilespmem:s8], [sflag:$0x2], $0x1000, s6, s5, $0x38;
	[tilespmem:$0xC000] =	vst v63  }
0x132: {  	s8 =	sld [smem:$0x7B7];
	s12 =	sadd.s32 $0x50, s20  }
0x133: {  	[smem:$0x760] =	sst s12  }
0x134: {  	[hbm4b:s1+s5] =	stream.strided.scatter [tilespmem:s18], [sflag:$0x2], $0x1000, s6, s5, $0x38;
	[tilespmem:$0xC000] =	vst v63  }
0x135: {  	s18 =	sld [smem:$0x7B8];
	s1 =	sadd.s32 $0x60, s20  }
0x136: {  	[smem:$0x761] =	sst s1  }
0x137: {  	[hbm4b:s12+s5] =	stream.strided.scatter [tilespmem:s8], [sflag:$0x2], $0x1000, s6, s5, $0x38;
	[tilespmem:$0xC000] =	vst v63  }
0x138: {  	s8 =	sld [smem:$0x7B9]  }
0x139: {  	s12 =	sadd.s32 $0x70, s20;
	s20 =	sld [smem:$0x7EC]  }
0x13a: {  	[smem:$0x762] =	sst s12  }
0x13b: {  	[hbm4b:s1+s5] =	stream.strided.scatter [tilespmem:s18], [sflag:$0x2], $0x1000, s6, s5, $0x38;
	[tilespmem:$0xC000] =	vst v63  }
0x13c: {  	s18 =	sld [smem:$0x7BA];
	s1 =	sadd.s32 $0x10, s15  }
0x13d: {  	[smem:$0x763] =	sst s1  }
0x13e: {  	[hbm4b:s12+s5] =	stream.strided.scatter [tilespmem:s8], [sflag:$0x2], $0x1000, s6, s5, $0x38;
	[tilespmem:$0xC000] =	vst v63  }
0x13f: {  	s8 =	sld [smem:$0x7BB];
	s12 =	sadd.s32 $0x20, s15  }
0x140: {  	[hbm4b:s15+s5] =	stream.strided.scatter [tilespmem:s6], [sflag:$0x2], $0x1000, s6, s5, $0x38;
	[tilespmem:$0xC000] =	vst v63  }
0x141: {  	[smem:$0x764] =	sst s12  }
0x142: {  	[hbm4b:s1+s5] =	stream.strided.scatter [tilespmem:s18], [sflag:$0x2], $0x1000, s6, s5, $0x38;
	[tilespmem:$0xC000] =	vst v63  }
0x143: {  	s18 =	sld [smem:$0x7BC];
	s1 =	sadd.s32 $0x30, s15  }
0x144: {  	[smem:$0x765] =	sst s1  }
0x145: {  	[hbm4b:s12+s5] =	stream.strided.scatter [tilespmem:s8], [sflag:$0x2], $0x1000, s6, s5, $0x38;
	[tilespmem:$0xC000] =	vst v63  }
0x146: {  	s8 =	sld [smem:$0x7BD];
	s12 =	sadd.s32 $0x40, s15  }
0x147: {  	[smem:$0x766] =	sst s12  }
0x148: {  	[hbm4b:s1+s5] =	stream.strided.scatter [tilespmem:s18], [sflag:$0x2], $0x1000, s6, s5, $0x38;
	[tilespmem:$0xC000] =	vst v63  }
0x149: {  	s18 =	sld [smem:$0x7BE];
	s1 =	sadd.s32 $0x50, s15  }
0x14a: {  	[smem:$0x767] =	sst s1  }
0x14b: {  	[hbm4b:s12+s5] =	stream.strided.scatter [tilespmem:s8], [sflag:$0x2], $0x1000, s6, s5, $0x38;
	[tilespmem:$0xC000] =	vst v63  }
0x14c: {  	s8 =	sld [smem:$0x7BF];
	s12 =	sadd.s32 $0x60, s15  }
0x14d: {  	[smem:$0x768] =	sst s12  }
0x14e: {  	[hbm4b:s1+s5] =	stream.strided.scatter [tilespmem:s18], [sflag:$0x2], $0x1000, s6, s5, $0x38;
	[tilespmem:$0xC000] =	vst v63  }
0x14f: {  	s18 =	sld [smem:$0x7C0];
	s1 =	sadd.s32 $0x10, s13  }
0x150: {  	[smem:$0x76A] =	sst s1  }
0x151: {  	[hbm4b:s12+s5] =	stream.strided.scatter [tilespmem:s8], [sflag:$0x2], $0x1000, s6, s5, $0x38;
	[tilespmem:$0xC000] =	vst v63  }
0x152: {  	s8 =	sadd.s32 $0x70, s15;
	s12 =	sld [smem:$0x7C1]  }
0x153: {  	[smem:$0x769] =	sst s8  }
0x154: {  	[hbm4b:s8+s5] =	stream.strided.scatter [tilespmem:s18], [sflag:$0x2], $0x1000, s6, s5, $0x38;
	[tilespmem:$0xC000] =	vst v63  }
0x155: {  	s18 =	sld [smem:$0x7C2]  }
0x156: {  	[hbm4b:s13+s5] =	stream.strided.scatter [tilespmem:s12], [sflag:$0x2], $0x1000, s6, s5, $0x38;
	[tilespmem:$0xC000] =	vst v63  }
0x157: {  	s8 =	sld [smem:$0x7C3];
	s12 =	sadd.s32 $0x20, s13  }
0x158: {  	[smem:$0x76B] =	sst s12  }
0x159: {  	[hbm4b:s1+s5] =	stream.strided.scatter [tilespmem:s18], [sflag:$0x2], $0x1000, s6, s5, $0x38;
	[tilespmem:$0xC000] =	vst v63  }
0x15a: {  	s18 =	sld [smem:$0x7C4];
	s1 =	sadd.s32 $0x30, s13  }
0x15b: {  	[smem:$0x76C] =	sst s1  }
0x15c: {  	[hbm4b:s12+s5] =	stream.strided.scatter [tilespmem:s8], [sflag:$0x2], $0x1000, s6, s5, $0x38;
	[tilespmem:$0xC000] =	vst v63  }
0x15d: {  	s8 =	sld [smem:$0x7C5];
	s12 =	sadd.s32 $0x40, s13  }
0x15e: {  	[smem:$0x76D] =	sst s12  }
0x15f: {  	[hbm4b:s1+s5] =	stream.strided.scatter [tilespmem:s18], [sflag:$0x2], $0x1000, s6, s5, $0x38;
	[tilespmem:$0xC000] =	vst v63  }
0x160: {  	s18 =	sld [smem:$0x7C6];
	s1 =	sadd.s32 $0x50, s13  }
0x161: {  	[smem:$0x76E] =	sst s1  }
0x162: {  	[hbm4b:s12+s5] =	stream.strided.scatter [tilespmem:s8], [sflag:$0x2], $0x1000, s6, s5, $0x38;
	[tilespmem:$0xC000] =	vst v63  }
0x163: {  	s8 =	sld [smem:$0x7C7];
	s12 =	sadd.s32 $0x60, s13  }
0x164: {  	[smem:$0x76F] =	sst s12  }
0x165: {  	[hbm4b:s1+s5] =	stream.strided.scatter [tilespmem:s18], [sflag:$0x2], $0x1000, s6, s5, $0x38;
	[tilespmem:$0xC000] =	vst v63  }
0x166: {  	s18 =	sld [smem:$0x7C8];
	s1 =	sadd.s32 $0x10, s26  }
0x167: {  	[smem:$0x771] =	sst s1  }
0x168: {  	[hbm4b:s12+s5] =	stream.strided.scatter [tilespmem:s8], [sflag:$0x2], $0x1000, s6, s5, $0x38;
	[tilespmem:$0xC000] =	vst v63  }
0x169: {  	s8 =	sadd.s32 $0x70, s13;
	s12 =	sld [smem:$0x7C9]  }
0x16a: {  	[smem:$0x770] =	sst s8  }
0x16b: {  	[hbm4b:s8+s5] =	stream.strided.scatter [tilespmem:s18], [sflag:$0x2], $0x1000, s6, s5, $0x38;
	[tilespmem:$0xC000] =	vst v63  }
0x16c: {  	s18 =	sld [smem:$0x7CA]  }
0x16d: {  	[hbm4b:s26+s5] =	stream.strided.scatter [tilespmem:s12], [sflag:$0x2], $0x1000, s6, s5, $0x38;
	[tilespmem:$0xC000] =	vst v63  }
0x16e: {  	s8 =	sld [smem:$0x7CB];
	s12 =	sadd.s32 $0x20, s26  }
0x16f: {  	[smem:$0x772] =	sst s12  }
0x170: {  	[hbm4b:s1+s5] =	stream.strided.scatter [tilespmem:s18], [sflag:$0x2], $0x1000, s6, s5, $0x38;
	[tilespmem:$0xC000] =	vst v63  }
0x171: {  	s18 =	sld [smem:$0x7CC];
	s1 =	sadd.s32 $0x30, s26  }
0x172: {  	[smem:$0x773] =	sst s1  }
0x173: {  	[hbm4b:s12+s5] =	stream.strided.scatter [tilespmem:s8], [sflag:$0x2], $0x1000, s6, s5, $0x38;
	[tilespmem:$0xC000] =	vst v63  }
0x174: {  	s8 =	sld [smem:$0x7CD];
	s12 =	sadd.s32 $0x40, s26  }
0x175: {  	[smem:$0x774] =	sst s12  }
0x176: {  	[hbm4b:s1+s5] =	stream.strided.scatter [tilespmem:s18], [sflag:$0x2], $0x1000, s6, s5, $0x38;
	[tilespmem:$0xC000] =	vst v63  }
0x177: {  	s18 =	sld [smem:$0x7CE];
	s1 =	sadd.s32 $0x50, s26  }
0x178: {  	[smem:$0x775] =	sst s1  }
0x179: {  	[hbm4b:s12+s5] =	stream.strided.scatter [tilespmem:s8], [sflag:$0x2], $0x1000, s6, s5, $0x38;
	[tilespmem:$0xC000] =	vst v63  }
0x17a: {  	s8 =	sld [smem:$0x7CF];
	s12 =	sadd.s32 $0x60, s26  }
0x17b: {  	[smem:$0x776] =	sst s12  }
0x17c: {  	[hbm4b:s1+s5] =	stream.strided.scatter [tilespmem:s18], [sflag:$0x2], $0x1000, s6, s5, $0x38;
	[tilespmem:$0xC000] =	vst v63  }
0x17d: {  	s18 =	sld [smem:$0x7D0];
	s1 =	sadd.s32 $0x10, s16  }
0x17e: {  	[smem:$0x778] =	sst s1  }
0x17f: {  	[hbm4b:s12+s5] =	stream.strided.scatter [tilespmem:s8], [sflag:$0x2], $0x1000, s6, s5, $0x38;
	[tilespmem:$0xC000] =	vst v63  }
0x180: {  	s8 =	sadd.s32 $0x70, s26;
	s12 =	sld [smem:$0x7D1]  }
0x181: {  	[smem:$0x777] =	sst s8  }
0x182: {  	[hbm4b:s8+s5] =	stream.strided.scatter [tilespmem:s18], [sflag:$0x2], $0x1000, s6, s5, $0x38;
	[tilespmem:$0xC000] =	vst v63  }
0x183: {  	s18 =	sld [smem:$0x7D2]  }
0x184: {  	[hbm4b:s16+s5] =	stream.strided.scatter [tilespmem:s12], [sflag:$0x2], $0x1000, s6, s5, $0x38;
	[tilespmem:$0xC000] =	vst v63  }
0x185: {  	s8 =	sld [smem:$0x7D3];
	s12 =	sadd.s32 $0x20, s16  }
0x186: {  	[smem:$0x779] =	sst s12  }
0x187: {  	[hbm4b:s1+s5] =	stream.strided.scatter [tilespmem:s18], [sflag:$0x2], $0x1000, s6, s5, $0x38;
	[tilespmem:$0xC000] =	vst v63  }
0x188: {  	s18 =	sld [smem:$0x7D4];
	s1 =	sadd.s32 $0x30, s16  }
0x189: {  	[smem:$0x77A] =	sst s1  }
0x18a: {  	[hbm4b:s12+s5] =	stream.strided.scatter [tilespmem:s8], [sflag:$0x2], $0x1000, s6, s5, $0x38;
	[tilespmem:$0xC000] =	vst v63  }
0x18b: {  	s8 =	sld [smem:$0x7D5];
	s12 =	sadd.s32 $0x40, s16  }
0x18c: {  	[smem:$0x77B] =	sst s12  }
0x18d: {  	[hbm4b:s1+s5] =	stream.strided.scatter [tilespmem:s18], [sflag:$0x2], $0x1000, s6, s5, $0x38;
	[tilespmem:$0xC000] =	vst v63  }
0x18e: {  	s18 =	sld [smem:$0x7D6];
	s1 =	sadd.s32 $0x50, s16  }
0x18f: {  	[smem:$0x77C] =	sst s1  }
0x190: {  	[hbm4b:s12+s5] =	stream.strided.scatter [tilespmem:s8], [sflag:$0x2], $0x1000, s6, s5, $0x38;
	[tilespmem:$0xC000] =	vst v63  }
0x191: {  	s8 =	sld [smem:$0x7D7];
	s12 =	sadd.s32 $0x60, s16  }
0x192: {  	[smem:$0x77D] =	sst s12  }
0x193: {  	[hbm4b:s1+s5] =	stream.strided.scatter [tilespmem:s18], [sflag:$0x2], $0x1000, s6, s5, $0x38;
	[tilespmem:$0xC000] =	vst v63  }
0x194: {  	s18 =	sld [smem:$0x7D8];
	s1 =	sadd.s32 $0x10, s4  }
0x195: {  	[smem:$0x77F] =	sst s1  }
0x196: {  	[hbm4b:s12+s5] =	stream.strided.scatter [tilespmem:s8], [sflag:$0x2], $0x1000, s6, s5, $0x38;
	[tilespmem:$0xC000] =	vst v63  }
0x197: {  	s8 =	sadd.s32 $0x70, s16;
	s12 =	sld [smem:$0x7D9]  }
0x198: {  	[smem:$0x77E] =	sst s8  }
0x199: {  	[hbm4b:s8+s5] =	stream.strided.scatter [tilespmem:s18], [sflag:$0x2], $0x1000, s6, s5, $0x38;
	[tilespmem:$0xC000] =	vst v63  }
0x19a: {  	s18 =	sld [smem:$0x7DA]  }
0x19b: {  	[hbm4b:s4+s5] =	stream.strided.scatter [tilespmem:s12], [sflag:$0x2], $0x1000, s6, s5, $0x38;
	[tilespmem:$0xC000] =	vst v63  }
0x19c: {  	s8 =	sld [smem:$0x7DB];
	s12 =	sadd.s32 $0x20, s4  }
0x19d: {  	[smem:$0x780] =	sst s12  }
0x19e: {  	[hbm4b:s1+s5] =	stream.strided.scatter [tilespmem:s18], [sflag:$0x2], $0x1000, s6, s5, $0x38;
	[tilespmem:$0xC000] =	vst v63  }
0x19f: {  	s18 =	sld [smem:$0x7DC];
	s1 =	sadd.s32 $0x30, s4  }
0x1a0: {  	[smem:$0x781] =	sst s1  }
0x1a1: {  	[hbm4b:s12+s5] =	stream.strided.scatter [tilespmem:s8], [sflag:$0x2], $0x1000, s6, s5, $0x38;
	[tilespmem:$0xC000] =	vst v63  }
0x1a2: {  	s8 =	sld [smem:$0x7DD];
	s12 =	sadd.s32 $0x40, s4  }
0x1a3: {  	[smem:$0x782] =	sst s12  }
0x1a4: {  	[hbm4b:s1+s5] =	stream.strided.scatter [tilespmem:s18], [sflag:$0x2], $0x1000, s6, s5, $0x38;
	[tilespmem:$0xC000] =	vst v63  }
0x1a5: {  	s18 =	sld [smem:$0x7DE];
	s1 =	sadd.s32 $0x50, s4  }
0x1a6: {  	[smem:$0x783] =	sst s1  }
0x1a7: {  	[hbm4b:s12+s5] =	stream.strided.scatter [tilespmem:s8], [sflag:$0x2], $0x1000, s6, s5, $0x38;
	[tilespmem:$0xC000] =	vst v63  }
0x1a8: {  	s8 =	sld [smem:$0x7DF];
	s12 =	sadd.s32 $0x60, s4  }
0x1a9: {  	[smem:$0x784] =	sst s12  }
0x1aa: {  	[hbm4b:s1+s5] =	stream.strided.scatter [tilespmem:s18], [sflag:$0x2], $0x1000, s6, s5, $0x38;
	[tilespmem:$0xC000] =	vst v63  }
0x1ab: {  	s18 =	sld [smem:$0x7E0];
	s1 =	sadd.s32 $0x10, s7  }
0x1ac: {  	[smem:$0x786] =	sst s1  }
0x1ad: {  	[hbm4b:s12+s5] =	stream.strided.scatter [tilespmem:s8], [sflag:$0x2], $0x1000, s6, s5, $0x38;
	[tilespmem:$0xC000] =	vst v63  }
0x1ae: {  	s8 =	sadd.s32 $0x70, s4;
	s12 =	sld [smem:$0x7E1]  }
0x1af: {  	[smem:$0x785] =	sst s8  }
0x1b0: {  	[hbm4b:s8+s5] =	stream.strided.scatter [tilespmem:s18], [sflag:$0x2], $0x1000, s6, s5, $0x38;
	[tilespmem:$0xC000] =	vst v63  }
0x1b1: {  	s18 =	sld [smem:$0x7E2]  }
0x1b2: {  	[hbm4b:s7+s5] =	stream.strided.scatter [tilespmem:s12], [sflag:$0x2], $0x1000, s6, s5, $0x38;
	[tilespmem:$0xC000] =	vst v63  }
0x1b3: {  	s8 =	sld [smem:$0x7E3];
	s12 =	sadd.s32 $0x20, s7  }
0x1b4: {  	[smem:$0x787] =	sst s12  }
0x1b5: {  	[hbm4b:s1+s5] =	stream.strided.scatter [tilespmem:s18], [sflag:$0x2], $0x1000, s6, s5, $0x38;
	[tilespmem:$0xC000] =	vst v63  }
0x1b6: {  	s18 =	sld [smem:$0x7E4];
	s1 =	sadd.s32 $0x30, s7  }
0x1b7: {  	[smem:$0x788] =	sst s1  }
0x1b8: {  	[hbm4b:s12+s5] =	stream.strided.scatter [tilespmem:s8], [sflag:$0x2], $0x1000, s6, s5, $0x38;
	[tilespmem:$0xC000] =	vst v63  }
0x1b9: {  	s8 =	sld [smem:$0x7E5];
	s12 =	sadd.s32 $0x40, s7  }
0x1ba: {  	[smem:$0x789] =	sst s12  }
0x1bb: {  	[hbm4b:s1+s5] =	stream.strided.scatter [tilespmem:s18], [sflag:$0x2], $0x1000, s6, s5, $0x38;
	[tilespmem:$0xC000] =	vst v63  }
0x1bc: {  	s18 =	sld [smem:$0x7E6];
	s1 =	sadd.s32 $0x70, s7  }
0x1bd: {  	[smem:$0x78E] =	sst s1  }
0x1be: {  	[hbm4b:s12+s5] =	stream.strided.scatter [tilespmem:s8], [sflag:$0x2], $0x1000, s6, s5, $0x38;
	[tilespmem:$0xC000] =	vst v63  }
0x1bf: {  	s8 =	sld [smem:$0x7E7];
	s12 =	sadd.s32 $0x60, s7  }
0x1c0: {  	[smem:$0x78C] =	sst s12  }
0x1c1: {  	[hbm4b:s2+s5] =	stream.strided.scatter [tilespmem:s18], [sflag:$0x2], $0x1000, s6, s5, $0x38;
	[tilespmem:$0xC000] =	vst v63  }
0x1c2: {  	s18 =	sld [smem:$0x7E8]  }
0x1c3: {  	[hbm4b:s12+s5] =	stream.strided.scatter [tilespmem:s8], [sflag:$0x2], $0x1000, s6, s5, $0x38;
	[tilespmem:$0xC000] =	vst v63  }
0x1c4: {  	s2 =	sld [smem:$0x7E9]  }
0x1c5: {  	[hbm4b:s1+s5] =	stream.strided.scatter [tilespmem:s18], [sflag:$0x2], $0x1000, s6, s5, $0x38;
	[tilespmem:$0xC000] =	vst v63  }
0x1c6: {  	s8 =	sld [smem:$0x7EA]  }
0x1c7: {  	[hbm4b:s14+s5] =	stream.strided.scatter [tilespmem:s2], [sflag:$0x2], $0x1000, s6, s5, $0x38;
	[tilespmem:$0xC000] =	vst v63  }
0x1c8: {  	s7 =	sadd.s32 $0x10, s14;
	s12 =	sld [smem:$0x7EB]  }
0x1c9: {  	[hbm4b:s7+s5] =	stream.strided.scatter [tilespmem:s8], [sflag:$0x2], $0x1000, s6, s5, $0x38;
	[tilespmem:$0xC000] =	vst v63  }
0x1ca: {  	[smem:$0x78F] =	sst s7;
	s18 =	sadd.s32 $0x20, s14  }
0x1cb: {  	[hbm4b:s18+s5] =	stream.strided.scatter [tilespmem:s12], [sflag:$0x2], $0x1000, s6, s5, $0x38;
	[tilespmem:$0xC000] =	vst v63  }
0x1cc: {  	s1 =	sadd.s32 $0x30, s14;
	s2 =	sld [smem:$0x7ED]  }
0x1cd: {  	[hbm4b:s1+s5] =	stream.strided.scatter [tilespmem:s20], [sflag:$0x2], $0x1000, s6, s5, $0x38;
	[tilespmem:$0xC000] =	vst v63  }
0x1ce: {  	s4 =	sadd.s32 $0x40, s14;
	s7 =	sld [smem:$0x7EE]  }
0x1cf: {  	[hbm4b:s4+s5] =	stream.strided.scatter [tilespmem:s2], [sflag:$0x2], $0x1000, s6, s5, $0x38;
	[tilespmem:$0xC000] =	vst v63  }
0x1d0: {  	s16 =	sld [smem:$0x7F1];
	s8 =	sadd.s32 $0x50, s14  }
0x1d1: {  	[hbm4b:s8+s5] =	stream.strided.scatter [tilespmem:s7], [sflag:$0x2], $0x1000, s6, s5, $0x38;
	[tilespmem:$0xC000] =	vst v63  }
0x1d2: {  	s10 =	sadd.s32 $0x60, s14;
	[smem:$0x799] =	sst s4  }
0x1d3: {  	[hbm4b:s10+s5] =	stream.strided.scatter [tilespmem:s9], [sflag:$0x2], $0x1000, s6, s5, $0x38;
	[tilespmem:$0xC000] =	vst v63  }
0x1d4: {  	s15 =	sadd.s32 $0x70, s14;
	[smem:$0x793] =	sst s18  }
0x1d5: {  	[hbm4b:s15+s5] =	stream.strided.scatter [tilespmem:s11], [sflag:$0x2], $0x1000, s6, s5, $0x38;
	[tilespmem:$0xC000] =	vst v63  }
0x1d6: {  	[smem:$0x796] =	sst s1  }
0x1d7: {  	[hbm4b:s22+s5] =	stream.strided.scatter [tilespmem:s5], [sflag:$0x2], $0x1000, s6, s5, $0x38;
	[tilespmem:$0xC000] =	vst v63  }
0x1d8: {  	s18 =	sadd.s32 $0x10, s22;
	s20 =	sld [smem:$0x7F2]  }
0x1d9: {  	[hbm4b:s18+s5] =	stream.strided.scatter [tilespmem:s16], [sflag:$0x2], $0x1000, s6, s5, $0x38;
	[tilespmem:$0xC000] =	vst v63  }
0x1da: {  	s26 =	sadd.s32 $0x20, s22;
	s1 =	sld [smem:$0x7F3]  }
0x1db: {  	[hbm4b:s26+s5] =	stream.strided.scatter [tilespmem:s20], [sflag:$0x2], $0x1000, s6, s5, $0x38;
	[tilespmem:$0xC000] =	vst v63  }
0x1dc: {  	s12 =	smov.u32 s15;
	s2 =	sld [smem:$0x7F4];
	s15 =	sadd.s32 $0x30, s22  }
0x1dd: {  	[hbm4b:s15+s5] =	stream.strided.scatter [tilespmem:s1], [sflag:$0x2], $0x1000, s6, s5, $0x38;
	[tilespmem:$0xC000] =	vst v63  }
0x1de: {  	s14 =	smov.u32 s18;
	s16 =	sadd.s32 $0x40, s22;
	s18 =	sld [smem:$0x7F5]  }
0x1df: {  	[hbm4b:s16+s5] =	stream.strided.scatter [tilespmem:s2], [sflag:$0x2], $0x1000, s6, s5, $0x38;
	[tilespmem:$0xC000] =	vst v63  }
0x1e0: {  	s17 =	sadd.s32 $0x50, s22;
	s4 =	sld [smem:$0x7F6]  }
0x1e1: {  	[hbm4b:s17+s5] =	stream.strided.scatter [tilespmem:s18], [sflag:$0x2], $0x1000, s6, s5, $0x38;
	[tilespmem:$0xC000] =	vst v63  }
0x1e2: {  	s13 =	smov.u32 s8;
	s8 =	sld [smem:$0x7F7];
	s18 =	sadd.s32 $0x60, s22  }
0x1e3: {  	[hbm4b:s18+s5] =	stream.strided.scatter [tilespmem:s4], [sflag:$0x2], $0x1000, s6, s5, $0x38;
	[tilespmem:$0xC000] =	vst v63  }
0x1e4: {  	s11 =	smov.u32 s19;
	s19 =	sadd.s32 $0x70, s22  }
0x1e5: {  	[hbm4b:s19+s5] =	stream.strided.scatter [tilespmem:s8], [sflag:$0x2], $0x1000, s6, s5, $0x38;
	[tilespmem:$0xC000] =	vst v63  }
0x1e6: {  	s7 =	smov.u32 s10  }
0x1e7: {  	[hbm4b:s31+s5] =	stream.strided.scatter [tilespmem:s21], [sflag:$0x2], $0x1000, s6, s5, $0x38;
	[tilespmem:$0xC000] =	vst v63  }
0x1e8: {  	s9 =	smov.u32 s25;
	s25 =	sld [smem:$0x7F8];
	s20 =	sadd.s32 $0x10, s31  }
0x1e9: {  	[hbm4b:s20+s5] =	stream.strided.scatter [tilespmem:s24], [sflag:$0x2], $0x1000, s6, s5, $0x38;
	[tilespmem:$0xC000] =	vst v63  }
0x1ea: {  	s10 =	smov.u32 s26;
	s26 =	sld [smem:$0x7F9];
	s21 =	sadd.s32 $0x20, s31  }
0x1eb: {  	[hbm4b:s21+s5] =	stream.strided.scatter [tilespmem:s25], [sflag:$0x2], $0x1000, s6, s5, $0x38;
	[tilespmem:$0xC000] =	vst v63  }
0x1ec: {  	s0 =	sld [smem:$0x7FA];
	s2 =	smov.u32 s22;
	s22 =	sadd.s32 $0x30, s31  }
0x1ed: {  	[hbm4b:s22+s5] =	stream.strided.scatter [tilespmem:s26], [sflag:$0x2], $0x1000, s6, s5, $0x38;
	[tilespmem:$0xC000] =	vst v63  }
0x1ee: {  	s8 =	sld [smem:$0x7FB];
	s24 =	sadd.s32 $0x40, s31  }
0x1ef: {  	[hbm4b:s24+s5] =	stream.strided.scatter [tilespmem:s0], [sflag:$0x2], $0x1000, s6, s5, $0x38;
	[tilespmem:$0xC000] =	vst v63  }
0x1f0: {  	s28 =	sld [smem:$0x7FC];
	s25 =	sadd.s32 $0x50, s31  }
0x1f1: {  	[hbm4b:s25+s5] =	stream.strided.scatter [tilespmem:s8], [sflag:$0x2], $0x1000, s6, s5, $0x38;
	[tilespmem:$0xC000] =	vst v63  }
0x1f2: {  	s30 =	sld [smem:$0x7FD];
	s26 =	sadd.s32 $0x60, s31  }
0x1f3: {  	[hbm4b:s26+s5] =	stream.strided.scatter [tilespmem:s28], [sflag:$0x2], $0x1000, s6, s5, $0x38;
	[tilespmem:$0xC000] =	vst v63  }
0x1f4: {  	s28 =	sadd.s32 $0x70, s31  }
0x1f5: {  	[hbm4b:s28+s5] =	stream.strided.scatter [tilespmem:s30], [sflag:$0x2], $0x1000, s6, s5, $0x38;
	[tilespmem:$0xC000] =	vst v63  }
0x1f6: {  	_ =	swait.ge [sflag:s3], $0x8000  }
0x1f7: {  	[sflag:s3] =	ssyncset.done $0x0  }
0x1f8: {  	[sflag:s3] =	ssyncadd.s32 $0xFFFF8000  }
0x1f9: {  	_ =	swait.ge [sflag:s3], $0x8000  }
0x1fa: {  	[sflag:s3] =	ssyncset.done $0x0  }
0x1fb: {  	[sflag:s3] =	ssyncadd.s32 $0xFFFF8000  }
0x1fc: {  	_ =	swait.ge [sflag:s3], $0x8000  }
0x1fd: {  	[sflag:s3] =	ssyncset.done $0x0  }
0x1fe: {  	[sflag:s3] =	ssyncadd.s32 $0xFFFF8000  }
0x1ff: {  	_ =	swait.ge [sflag:s3], $0x8000  }
0x200: {  	[sflag:s3] =	ssyncset.done $0x0  }
0x201: {  	[sflag:s3] =	ssyncadd.s32 $0xFFFF8000  }
0x202: {  	_ =	swait.ge [sflag:s3], $0x8000  }
0x203: {  	[sflag:s3] =	ssyncset.done $0x0  }
0x204: {  	[sflag:s3] =	ssyncadd.s32 $0xFFFF8000  }
0x205: {  	_ =	swait.ge [sflag:s3], $0x8000  }
0x206: {  	[sflag:s3] =	ssyncset.done $0x0  }
0x207: {  	[sflag:s3] =	ssyncadd.s32 $0xFFFF8000  }
0x208: {  	_ =	swait.ge [sflag:s3], $0x8000  }
0x209: {  	[sflag:s3] =	ssyncset.done $0x0  }
0x20a: {  	[sflag:s3] =	ssyncadd.s32 $0xFFFF8000  }
0x20b: {  	_ =	swait.ge [sflag:s3], $0x8000  }
0x20c: {  	[sflag:s3] =	ssyncset.done $0x0  }
0x20d: {  	[sflag:s3] =	ssyncadd.s32 $0xFFFF8000  }
0x20e: {  	_ =	swait.ge [sflag:s3], $0x8000  }
0x20f: {  	[sflag:s3] =	ssyncset.done $0x0  }
0x210: {  	[sflag:s3] =	ssyncadd.s32 $0xFFFF8000  }
0x211: {  	_ =	swait.ge [sflag:s3], $0x8000  }
0x212: {  	[sflag:s3] =	ssyncset.done $0x0  }
0x213: {  	[sflag:s3] =	ssyncadd.s32 $0xFFFF8000  }
0x214: {  	_ =	swait.ge [sflag:s3], $0x8000  }
0x215: {  	[sflag:s3] =	ssyncset.done $0x0  }
0x216: {  	[sflag:s3] =	ssyncadd.s32 $0xFFFF8000  }
0x217: {  	_ =	swait.ge [sflag:s3], $0x8000  }
0x218: {  	[sflag:s3] =	ssyncset.done $0x0  }
0x219: {  	[sflag:s3] =	ssyncadd.s32 $0xFFFF8000  }
0x21a: {  	_ =	swait.ge [sflag:s3], $0x8000  }
0x21b: {  	[sflag:s3] =	ssyncset.done $0x0  }
0x21c: {  	[sflag:s3] =	ssyncadd.s32 $0xFFFF8000  }
0x21d: {  	_ =	swait.ge [sflag:s3], $0x8000  }
0x21e: {  	[sflag:s3] =	ssyncset.done $0x0  }
0x21f: {  	p1 =	sne.s32 s29, $0x1;
	[sflag:s3] =	ssyncadd.s32 $0xFFFF8000  }
.Ltmp1:
0x220: {  	_ =	swait.ge [sflag:s3], $0x8000;
	(pc) =	sbr.rel @!p1 .LBB2_2-.Ltmp1, $4  }
0x221: {  	[sflag:s3] =	ssyncset.done $0x0  }
0x222: {  	s29 =	sadd.s32 $0xFFFFFFFF, s29;
	p0 =	por $0x1, $0x1;
	[sflag:s3] =	ssyncadd.s32 $0xFFFF8000  }
0x223: {  	s1 =	simm.s32 $0x0;
	s4 =	simm.s32 $0x1800;
	_ =	swait.ge [sflag:s3], $0x8000  }
0x224: {  	s0 =	smov.u32 s31;
	[sflag:s3] =	ssyncset.done $0x0;
	s30 =	rddreg [dreg:$0x3]  }
.LBB2_3:
0x225: {  	s31 =	rddreg [dreg:$0x4];
	[sflag:s3] =	ssyncadd.s32 $0xFFFF8000  }
0x226: {  	[tilespmem:s1], [sflag:$0x1] =	stream.strided.gather [hbm4b:s30+s4], $0xC000, s31, s4, $0x38;
	[tilespmem:$0xC000] =	vst v63  }
0x227: {  	_ =	swait.ge [sflag:s23], $0xC000  }
0x228: {  	s8 =	sld [smem:$0x792]  }
0x229: {  	[sflag:s23] =	ssyncset.done $0x0  }
0x22a: {  	s30 =	rddreg [dreg:$0x5];
	[sflag:s23] =	ssyncadd.s32 $0xFFFF4000  }
0x22b: {  	[hbm4b:s8+s5] =	stream.strided.scatter [tilespmem:s30], [sflag:$0x2], $0x1000, s6, s5, $0x38;
	[tilespmem:$0xC000] =	vst v63  }
0x22c: {  	s8 =	sld [smem:$0x732];
	_ =	sdelay $0x1  }
0x22d: {  	s31 =	rddreg [dreg:$0x6]  }
0x22e: {  	[hbm4b:s8+s5] =	stream.strided.scatter [tilespmem:s31], [sflag:$0x2], $0x1000, s6, s5, $0x38;
	[tilespmem:$0xC000] =	vst v63  }
0x22f: {  	s8 =	sld [smem:$0x733];
	_ =	sdelay $0x1  }
0x230: {  	s30 =	rddreg [dreg:$0x7]  }
0x231: {  	[hbm4b:s8+s5] =	stream.strided.scatter [tilespmem:s30], [sflag:$0x2], $0x1000, s6, s5, $0x38;
	[tilespmem:$0xC000] =	vst v63  }
0x232: {  	s8 =	sld [smem:$0x734];
	_ =	sdelay $0x1  }
0x233: {  	s31 =	rddreg [dreg:$0x8]  }
0x234: {  	[hbm4b:s8+s5] =	stream.strided.scatter [tilespmem:s31], [sflag:$0x2], $0x1000, s6, s5, $0x38;
	[tilespmem:$0xC000] =	vst v63  }
0x235: {  	s8 =	sld [smem:$0x735];
	_ =	sdelay $0x1  }
0x236: {  	s30 =	rddreg [dreg:$0x9]  }
0x237: {  	[hbm4b:s8+s5] =	stream.strided.scatter [tilespmem:s30], [sflag:$0x2], $0x1000, s6, s5, $0x38;
	[tilespmem:$0xC000] =	vst v63  }
0x238: {  	s8 =	sld [smem:$0x736];
	_ =	sdelay $0x1  }
0x239: {  	s31 =	rddreg [dreg:$0xa]  }
0x23a: {  	[hbm4b:s8+s5] =	stream.strided.scatter [tilespmem:s31], [sflag:$0x2], $0x1000, s6, s5, $0x38;
	[tilespmem:$0xC000] =	vst v63  }
0x23b: {  	s8 =	sld [smem:$0x737];
	_ =	sdelay $0x1  }
0x23c: {  	s30 =	rddreg [dreg:$0xb]  }
0x23d: {  	[hbm4b:s8+s5] =	stream.strided.scatter [tilespmem:s30], [sflag:$0x2], $0x1000, s6, s5, $0x38;
	[tilespmem:$0xC000] =	vst v63  }
0x23e: {  	s8 =	sld [smem:$0x738]  }
0x23f: {  	s31 =	rddreg [dreg:$0xc]  }
0x240: {  	s30 =	rddreg [dreg:$0xd]  }
0x241: {  	[hbm4b:s8+s5] =	stream.strided.scatter [tilespmem:s31], [sflag:$0x2], $0x1000, s6, s5, $0x38;
	[tilespmem:$0xC000] =	vst v63  }
0x242: {  	s8 =	sld [smem:$0x739]  }
0x243: {  	[hbm4b:s9+s5] =	stream.strided.scatter [tilespmem:s30], [sflag:$0x2], $0x1000, s6, s5, $0x38;
	[tilespmem:$0xC000] =	vst v63  }
0x244: {  	s31 =	rddreg [dreg:$0xe]  }
0x245: {  	[hbm4b:s8+s5] =	stream.strided.scatter [tilespmem:s31], [sflag:$0x2], $0x1000, s6, s5, $0x38;
	[tilespmem:$0xC000] =	vst v63  }
0x246: {  	s8 =	sld [smem:$0x73A];
	_ =	sdelay $0x1  }
0x247: {  	s30 =	rddreg [dreg:$0xf]  }
0x248: {  	[hbm4b:s8+s5] =	stream.strided.scatter [tilespmem:s30], [sflag:$0x2], $0x1000, s6, s5, $0x38;
	[tilespmem:$0xC000] =	vst v63  }
0x249: {  	s8 =	sld [smem:$0x73B];
	_ =	sdelay $0x1  }
0x24a: {  	s31 =	rddreg [dreg:$0x10]  }
0x24b: {  	[hbm4b:s8+s5] =	stream.strided.scatter [tilespmem:s31], [sflag:$0x2], $0x1000, s6, s5, $0x38;
	[tilespmem:$0xC000] =	vst v63  }
0x24c: {  	s8 =	sld [smem:$0x73C];
	_ =	sdelay $0x1  }
0x24d: {  	s30 =	rddreg [dreg:$0x11]  }
0x24e: {  	[hbm4b:s8+s5] =	stream.strided.scatter [tilespmem:s30], [sflag:$0x2], $0x1000, s6, s5, $0x38;
	[tilespmem:$0xC000] =	vst v63  }
0x24f: {  	s8 =	sld [smem:$0x73D];
	_ =	sdelay $0x1  }
0x250: {  	s31 =	rddreg [dreg:$0x12]  }
0x251: {  	[hbm4b:s8+s5] =	stream.strided.scatter [tilespmem:s31], [sflag:$0x2], $0x1000, s6, s5, $0x38;
	[tilespmem:$0xC000] =	vst v63  }
0x252: {  	s8 =	sld [smem:$0x73E];
	_ =	sdelay $0x1  }
0x253: {  	s30 =	rddreg [dreg:$0x13]  }
0x254: {  	[hbm4b:s8+s5] =	stream.strided.scatter [tilespmem:s30], [sflag:$0x2], $0x1000, s6, s5, $0x38;
	[tilespmem:$0xC000] =	vst v63  }
0x255: {  	s8 =	sld [smem:$0x73F];
	_ =	sdelay $0x1  }
0x256: {  	s31 =	rddreg [dreg:$0x14]  }
0x257: {  	[hbm4b:s8+s5] =	stream.strided.scatter [tilespmem:s31], [sflag:$0x2], $0x1000, s6, s5, $0x38;
	[tilespmem:$0xC000] =	vst v63  }
0x258: {  	s8 =	sld [smem:$0x798];
	_ =	sdelay $0x1  }
0x259: {  	s30 =	rddreg [dreg:$0x15]  }
0x25a: {  	[hbm4b:s8+s5] =	stream.strided.scatter [tilespmem:s30], [sflag:$0x2], $0x1000, s6, s5, $0x38;
	[tilespmem:$0xC000] =	vst v63  }
0x25b: {  	s8 =	sld [smem:$0x740];
	_ =	sdelay $0x1  }
0x25c: {  	s31 =	rddreg [dreg:$0x16]  }
0x25d: {  	[hbm4b:s8+s5] =	stream.strided.scatter [tilespmem:s31], [sflag:$0x2], $0x1000, s6, s5, $0x38;
	[tilespmem:$0xC000] =	vst v63  }
0x25e: {  	s8 =	sld [smem:$0x741];
	_ =	sdelay $0x1  }
0x25f: {  	s30 =	rddreg [dreg:$0x17]  }
0x260: {  	[hbm4b:s8+s5] =	stream.strided.scatter [tilespmem:s30], [sflag:$0x2], $0x1000, s6, s5, $0x38;
	[tilespmem:$0xC000] =	vst v63  }
0x261: {  	s8 =	sld [smem:$0x742];
	_ =	sdelay $0x1  }
0x262: {  	s31 =	rddreg [dreg:$0x18]  }
0x263: {  	[hbm4b:s8+s5] =	stream.strided.scatter [tilespmem:s31], [sflag:$0x2], $0x1000, s6, s5, $0x38;
	[tilespmem:$0xC000] =	vst v63  }
0x264: {  	s8 =	sld [smem:$0x743];
	_ =	sdelay $0x1  }
0x265: {  	s30 =	rddreg [dreg:$0x19]  }
0x266: {  	[hbm4b:s8+s5] =	stream.strided.scatter [tilespmem:s30], [sflag:$0x2], $0x1000, s6, s5, $0x38;
	[tilespmem:$0xC000] =	vst v63  }
0x267: {  	s8 =	sld [smem:$0x744];
	_ =	sdelay $0x1  }
0x268: {  	s31 =	rddreg [dreg:$0x1a]  }
0x269: {  	[hbm4b:s8+s5] =	stream.strided.scatter [tilespmem:s31], [sflag:$0x2], $0x1000, s6, s5, $0x38;
	[tilespmem:$0xC000] =	vst v63  }
0x26a: {  	s8 =	sld [smem:$0x745];
	_ =	sdelay $0x1  }
0x26b: {  	s30 =	rddreg [dreg:$0x1b]  }
0x26c: {  	[hbm4b:s8+s5] =	stream.strided.scatter [tilespmem:s30], [sflag:$0x2], $0x1000, s6, s5, $0x38;
	[tilespmem:$0xC000] =	vst v63  }
0x26d: {  	s8 =	sld [smem:$0x746]  }
0x26e: {  	s31 =	rddreg [dreg:$0x1c]  }
0x26f: {  	s30 =	rddreg [dreg:$0x1d]  }
0x270: {  	[hbm4b:s8+s5] =	stream.strided.scatter [tilespmem:s31], [sflag:$0x2], $0x1000, s6, s5, $0x38;
	[tilespmem:$0xC000] =	vst v63  }
0x271: {  	s8 =	sld [smem:$0x747]  }
0x272: {  	[hbm4b:s11+s5] =	stream.strided.scatter [tilespmem:s30], [sflag:$0x2], $0x1000, s6, s5, $0x38;
	[tilespmem:$0xC000] =	vst v63  }
0x273: {  	s31 =	rddreg [dreg:$0x1e]  }
0x274: {  	[hbm4b:s8+s5] =	stream.strided.scatter [tilespmem:s31], [sflag:$0x2], $0x1000, s6, s5, $0x38;
	[tilespmem:$0xC000] =	vst v63  }
0x275: {  	s8 =	sld [smem:$0x748]  }
0x276: {  	s30 =	rddreg [dreg:$0x1f]  }
0x277: {  	s31 =	sld [smem:$0x79D]  }
0x278: {  	[hbm4b:s8+s5] =	stream.strided.scatter [tilespmem:s30], [sflag:$0x2], $0x1000, s6, s5, $0x38;
	[tilespmem:$0xC000] =	vst v63  }
0x279: {  	s8 =	sld [smem:$0x749];
	_ =	sdelay $0x1  }
0x27a: {  	s30 =	sld [smem:$0x79E]  }
0x27b: {  	[hbm4b:s8+s5] =	stream.strided.scatter [tilespmem:s31], [sflag:$0x2], $0x1000, s6, s5, $0x38;
	[tilespmem:$0xC000] =	vst v63  }
0x27c: {  	s8 =	sld [smem:$0x74A];
	_ =	sdelay $0x1  }
0x27d: {  	s31 =	sld [smem:$0x79F]  }
0x27e: {  	[hbm4b:s8+s5] =	stream.strided.scatter [tilespmem:s30], [sflag:$0x2], $0x1000, s6, s5, $0x38;
	[tilespmem:$0xC000] =	vst v63  }
0x27f: {  	s8 =	sld [smem:$0x74B];
	_ =	sdelay $0x1  }
0x280: {  	s30 =	sld [smem:$0x7A0]  }
0x281: {  	[hbm4b:s8+s5] =	stream.strided.scatter [tilespmem:s31], [sflag:$0x2], $0x1000, s6, s5, $0x38;
	[tilespmem:$0xC000] =	vst v63  }
0x282: {  	s8 =	sld [smem:$0x74C];
	_ =	sdelay $0x1  }
0x283: {  	s31 =	sld [smem:$0x7A1]  }
0x284: {  	[hbm4b:s8+s5] =	stream.strided.scatter [tilespmem:s30], [sflag:$0x2], $0x1000, s6, s5, $0x38;
	[tilespmem:$0xC000] =	vst v63  }
0x285: {  	s8 =	sld [smem:$0x74D];
	_ =	sdelay $0x1  }
0x286: {  	s30 =	sld [smem:$0x7A2]  }
0x287: {  	[hbm4b:s8+s5] =	stream.strided.scatter [tilespmem:s31], [sflag:$0x2], $0x1000, s6, s5, $0x38;
	[tilespmem:$0xC000] =	vst v63  }
0x288: {  	s8 =	sld [smem:$0x795];
	_ =	sdelay $0x1  }
0x289: {  	s31 =	sld [smem:$0x7A3]  }
0x28a: {  	[hbm4b:s8+s5] =	stream.strided.scatter [tilespmem:s30], [sflag:$0x2], $0x1000, s6, s5, $0x38;
	[tilespmem:$0xC000] =	vst v63  }
0x28b: {  	s8 =	sld [smem:$0x74E];
	_ =	sdelay $0x1  }
0x28c: {  	s30 =	sld [smem:$0x7A4]  }
0x28d: {  	[hbm4b:s8+s5] =	stream.strided.scatter [tilespmem:s31], [sflag:$0x2], $0x1000, s6, s5, $0x38;
	[tilespmem:$0xC000] =	vst v63  }
0x28e: {  	s8 =	sld [smem:$0x74F];
	_ =	sdelay $0x1  }
0x28f: {  	s31 =	sld [smem:$0x7A5]  }
0x290: {  	[hbm4b:s8+s5] =	stream.strided.scatter [tilespmem:s30], [sflag:$0x2], $0x1000, s6, s5, $0x38;
	[tilespmem:$0xC000] =	vst v63  }
0x291: {  	s8 =	sld [smem:$0x750];
	_ =	sdelay $0x1  }
0x292: {  	s30 =	sld [smem:$0x7A6]  }
0x293: {  	[hbm4b:s8+s5] =	stream.strided.scatter [tilespmem:s31], [sflag:$0x2], $0x1000, s6, s5, $0x38;
	[tilespmem:$0xC000] =	vst v63  }
0x294: {  	s8 =	sld [smem:$0x751];
	_ =	sdelay $0x1  }
0x295: {  	s31 =	sld [smem:$0x7A7]  }
0x296: {  	[hbm4b:s8+s5] =	stream.strided.scatter [tilespmem:s30], [sflag:$0x2], $0x1000, s6, s5, $0x38;
	[tilespmem:$0xC000] =	vst v63  }
0x297: {  	s8 =	sld [smem:$0x752];
	_ =	sdelay $0x1  }
0x298: {  	s30 =	sld [smem:$0x7A8]  }
0x299: {  	[hbm4b:s8+s5] =	stream.strided.scatter [tilespmem:s31], [sflag:$0x2], $0x1000, s6, s5, $0x38;
	[tilespmem:$0xC000] =	vst v63  }
0x29a: {  	s8 =	sld [smem:$0x753];
	_ =	sdelay $0x1  }
0x29b: {  	s31 =	sld [smem:$0x7A9]  }
0x29c: {  	[hbm4b:s8+s5] =	stream.strided.scatter [tilespmem:s30], [sflag:$0x2], $0x1000, s6, s5, $0x38;
	[tilespmem:$0xC000] =	vst v63  }
0x29d: {  	s8 =	sld [smem:$0x754];
	_ =	sdelay $0x1  }
0x29e: {  	s30 =	sld [smem:$0x7AA]  }
0x29f: {  	[hbm4b:s8+s5] =	stream.strided.scatter [tilespmem:s31], [sflag:$0x2], $0x1000, s6, s5, $0x38;
	[tilespmem:$0xC000] =	vst v63  }
0x2a0: {  	s8 =	sld [smem:$0x79C];
	_ =	sdelay $0x1  }
0x2a1: {  	s31 =	sld [smem:$0x7AB]  }
0x2a2: {  	[hbm4b:s8+s5] =	stream.strided.scatter [tilespmem:s30], [sflag:$0x2], $0x1000, s6, s5, $0x38;
	[tilespmem:$0xC000] =	vst v63  }
0x2a3: {  	s8 =	sld [smem:$0x755];
	_ =	sdelay $0x1  }
0x2a4: {  	s30 =	sld [smem:$0x7AC]  }
0x2a5: {  	[hbm4b:s8+s5] =	stream.strided.scatter [tilespmem:s31], [sflag:$0x2], $0x1000, s6, s5, $0x38;
	[tilespmem:$0xC000] =	vst v63  }
0x2a6: {  	s8 =	sld [smem:$0x756];
	_ =	sdelay $0x1  }
0x2a7: {  	s31 =	sld [smem:$0x7AD]  }
0x2a8: {  	[hbm4b:s8+s5] =	stream.strided.scatter [tilespmem:s30], [sflag:$0x2], $0x1000, s6, s5, $0x38;
	[tilespmem:$0xC000] =	vst v63  }
0x2a9: {  	s8 =	sld [smem:$0x757];
	_ =	sdelay $0x1  }
0x2aa: {  	s30 =	sld [smem:$0x7AE]  }
0x2ab: {  	[hbm4b:s8+s5] =	stream.strided.scatter [tilespmem:s31], [sflag:$0x2], $0x1000, s6, s5, $0x38;
	[tilespmem:$0xC000] =	vst v63  }
0x2ac: {  	s8 =	sld [smem:$0x758];
	_ =	sdelay $0x1  }
0x2ad: {  	s31 =	sld [smem:$0x7AF]  }
0x2ae: {  	[hbm4b:s8+s5] =	stream.strided.scatter [tilespmem:s30], [sflag:$0x2], $0x1000, s6, s5, $0x38;
	[tilespmem:$0xC000] =	vst v63  }
0x2af: {  	s8 =	sld [smem:$0x759];
	_ =	sdelay $0x1  }
0x2b0: {  	s30 =	sld [smem:$0x7B0]  }
0x2b1: {  	[hbm4b:s8+s5] =	stream.strided.scatter [tilespmem:s31], [sflag:$0x2], $0x1000, s6, s5, $0x38;
	[tilespmem:$0xC000] =	vst v63  }
0x2b2: {  	s8 =	sld [smem:$0x75A];
	_ =	sdelay $0x1  }
0x2b3: {  	s31 =	sld [smem:$0x7B1]  }
0x2b4: {  	[hbm4b:s8+s5] =	stream.strided.scatter [tilespmem:s30], [sflag:$0x2], $0x1000, s6, s5, $0x38;
	[tilespmem:$0xC000] =	vst v63  }
0x2b5: {  	s8 =	sld [smem:$0x75B];
	_ =	sdelay $0x1  }
0x2b6: {  	s30 =	sld [smem:$0x7B2]  }
0x2b7: {  	[hbm4b:s8+s5] =	stream.strided.scatter [tilespmem:s31], [sflag:$0x2], $0x1000, s6, s5, $0x38;
	[tilespmem:$0xC000] =	vst v63  }
0x2b8: {  	s8 =	sld [smem:$0x791];
	_ =	sdelay $0x1  }
0x2b9: {  	s31 =	sld [smem:$0x7B3]  }
0x2ba: {  	[hbm4b:s8+s5] =	stream.strided.scatter [tilespmem:s30], [sflag:$0x2], $0x1000, s6, s5, $0x38;
	[tilespmem:$0xC000] =	vst v63  }
0x2bb: {  	s8 =	sld [smem:$0x75C];
	_ =	sdelay $0x1  }
0x2bc: {  	s30 =	sld [smem:$0x7B4]  }
0x2bd: {  	[hbm4b:s8+s5] =	stream.strided.scatter [tilespmem:s31], [sflag:$0x2], $0x1000, s6, s5, $0x38;
	[tilespmem:$0xC000] =	vst v63  }
0x2be: {  	s8 =	sld [smem:$0x75D];
	_ =	sdelay $0x1  }
0x2bf: {  	s31 =	sld [smem:$0x7B5]  }
0x2c0: {  	[hbm4b:s8+s5] =	stream.strided.scatter [tilespmem:s30], [sflag:$0x2], $0x1000, s6, s5, $0x38;
	[tilespmem:$0xC000] =	vst v63  }
0x2c1: {  	s8 =	sld [smem:$0x75E];
	_ =	sdelay $0x1  }
0x2c2: {  	s30 =	sld [smem:$0x7B6]  }
0x2c3: {  	[hbm4b:s8+s5] =	stream.strided.scatter [tilespmem:s31], [sflag:$0x2], $0x1000, s6, s5, $0x38;
	[tilespmem:$0xC000] =	vst v63  }
0x2c4: {  	s8 =	sld [smem:$0x75F];
	_ =	sdelay $0x1  }
0x2c5: {  	s31 =	sld [smem:$0x7B7]  }
0x2c6: {  	[hbm4b:s8+s5] =	stream.strided.scatter [tilespmem:s30], [sflag:$0x2], $0x1000, s6, s5, $0x38;
	[tilespmem:$0xC000] =	vst v63  }
0x2c7: {  	s8 =	sld [smem:$0x760];
	_ =	sdelay $0x1  }
0x2c8: {  	s30 =	sld [smem:$0x7B8]  }
0x2c9: {  	[hbm4b:s8+s5] =	stream.strided.scatter [tilespmem:s31], [sflag:$0x2], $0x1000, s6, s5, $0x38;
	[tilespmem:$0xC000] =	vst v63  }
0x2ca: {  	s8 =	sld [smem:$0x761];
	_ =	sdelay $0x1  }
0x2cb: {  	s31 =	sld [smem:$0x7B9]  }
0x2cc: {  	[hbm4b:s8+s5] =	stream.strided.scatter [tilespmem:s30], [sflag:$0x2], $0x1000, s6, s5, $0x38;
	[tilespmem:$0xC000] =	vst v63  }
0x2cd: {  	s8 =	sld [smem:$0x762];
	_ =	sdelay $0x2  }
0x2ce: {  	[hbm4b:s8+s5] =	stream.strided.scatter [tilespmem:s31], [sflag:$0x2], $0x1000, s6, s5, $0x38;
	[tilespmem:$0xC000] =	vst v63  }
0x2cf: {  	s31 =	sld [smem:$0x79A]  }
0x2d0: {  	s30 =	sld [smem:$0x7BA]  }
0x2d1: {  	s8 =	sld [smem:$0x763]  }
0x2d2: {  	[hbm4b:s31+s5] =	stream.strided.scatter [tilespmem:s6], [sflag:$0x2], $0x1000, s6, s5, $0x38;
	[tilespmem:$0xC000] =	vst v63  }
0x2d3: {  	s31 =	sld [smem:$0x7BB]  }
0x2d4: {  	[hbm4b:s8+s5] =	stream.strided.scatter [tilespmem:s30], [sflag:$0x2], $0x1000, s6, s5, $0x38;
	[tilespmem:$0xC000] =	vst v63  }
0x2d5: {  	s8 =	sld [smem:$0x764];
	_ =	sdelay $0x1  }
0x2d6: {  	s30 =	sld [smem:$0x7BC]  }
0x2d7: {  	[hbm4b:s8+s5] =	stream.strided.scatter [tilespmem:s31], [sflag:$0x2], $0x1000, s6, s5, $0x38;
	[tilespmem:$0xC000] =	vst v63  }
0x2d8: {  	s8 =	sld [smem:$0x765];
	_ =	sdelay $0x1  }
0x2d9: {  	s31 =	sld [smem:$0x7BD]  }
0x2da: {  	[hbm4b:s8+s5] =	stream.strided.scatter [tilespmem:s30], [sflag:$0x2], $0x1000, s6, s5, $0x38;
	[tilespmem:$0xC000] =	vst v63  }
0x2db: {  	s8 =	sld [smem:$0x766];
	_ =	sdelay $0x1  }
0x2dc: {  	s30 =	sld [smem:$0x7BE]  }
0x2dd: {  	[hbm4b:s8+s5] =	stream.strided.scatter [tilespmem:s31], [sflag:$0x2], $0x1000, s6, s5, $0x38;
	[tilespmem:$0xC000] =	vst v63  }
0x2de: {  	s8 =	sld [smem:$0x767];
	_ =	sdelay $0x1  }
0x2df: {  	s31 =	sld [smem:$0x7BF]  }
0x2e0: {  	[hbm4b:s8+s5] =	stream.strided.scatter [tilespmem:s30], [sflag:$0x2], $0x1000, s6, s5, $0x38;
	[tilespmem:$0xC000] =	vst v63  }
0x2e1: {  	s8 =	sld [smem:$0x768];
	_ =	sdelay $0x1  }
0x2e2: {  	s30 =	sld [smem:$0x7C0]  }
0x2e3: {  	[hbm4b:s8+s5] =	stream.strided.scatter [tilespmem:s31], [sflag:$0x2], $0x1000, s6, s5, $0x38;
	[tilespmem:$0xC000] =	vst v63  }
0x2e4: {  	s8 =	sld [smem:$0x769];
	_ =	sdelay $0x1  }
0x2e5: {  	s31 =	sld [smem:$0x7C1]  }
0x2e6: {  	[hbm4b:s8+s5] =	stream.strided.scatter [tilespmem:s30], [sflag:$0x2], $0x1000, s6, s5, $0x38;
	[tilespmem:$0xC000] =	vst v63  }
0x2e7: {  	s8 =	sld [smem:$0x790];
	_ =	sdelay $0x1  }
0x2e8: {  	s30 =	sld [smem:$0x7C2]  }
0x2e9: {  	[hbm4b:s8+s5] =	stream.strided.scatter [tilespmem:s31], [sflag:$0x2], $0x1000, s6, s5, $0x38;
	[tilespmem:$0xC000] =	vst v63  }
0x2ea: {  	s8 =	sld [smem:$0x76A];
	_ =	sdelay $0x1  }
0x2eb: {  	s31 =	sld [smem:$0x7C3]  }
0x2ec: {  	[hbm4b:s8+s5] =	stream.strided.scatter [tilespmem:s30], [sflag:$0x2], $0x1000, s6, s5, $0x38;
	[tilespmem:$0xC000] =	vst v63  }
0x2ed: {  	s8 =	sld [smem:$0x76B];
	_ =	sdelay $0x1  }
0x2ee: {  	s30 =	sld [smem:$0x7C4]  }
0x2ef: {  	[hbm4b:s8+s5] =	stream.strided.scatter [tilespmem:s31], [sflag:$0x2], $0x1000, s6, s5, $0x38;
	[tilespmem:$0xC000] =	vst v63  }
0x2f0: {  	s8 =	sld [smem:$0x76C];
	_ =	sdelay $0x1  }
0x2f1: {  	s31 =	sld [smem:$0x7C5]  }
0x2f2: {  	[hbm4b:s8+s5] =	stream.strided.scatter [tilespmem:s30], [sflag:$0x2], $0x1000, s6, s5, $0x38;
	[tilespmem:$0xC000] =	vst v63  }
0x2f3: {  	s8 =	sld [smem:$0x76D];
	_ =	sdelay $0x1  }
0x2f4: {  	s30 =	sld [smem:$0x7C6]  }
0x2f5: {  	[hbm4b:s8+s5] =	stream.strided.scatter [tilespmem:s31], [sflag:$0x2], $0x1000, s6, s5, $0x38;
	[tilespmem:$0xC000] =	vst v63  }
0x2f6: {  	s8 =	sld [smem:$0x76E];
	_ =	sdelay $0x1  }
0x2f7: {  	s31 =	sld [smem:$0x7C7]  }
0x2f8: {  	[hbm4b:s8+s5] =	stream.strided.scatter [tilespmem:s30], [sflag:$0x2], $0x1000, s6, s5, $0x38;
	[tilespmem:$0xC000] =	vst v63  }
0x2f9: {  	s8 =	sld [smem:$0x76F];
	_ =	sdelay $0x1  }
0x2fa: {  	s30 =	sld [smem:$0x7C8]  }
0x2fb: {  	[hbm4b:s8+s5] =	stream.strided.scatter [tilespmem:s31], [sflag:$0x2], $0x1000, s6, s5, $0x38;
	[tilespmem:$0xC000] =	vst v63  }
0x2fc: {  	s8 =	sld [smem:$0x770];
	_ =	sdelay $0x1  }
0x2fd: {  	s31 =	sld [smem:$0x7C9]  }
0x2fe: {  	[hbm4b:s8+s5] =	stream.strided.scatter [tilespmem:s30], [sflag:$0x2], $0x1000, s6, s5, $0x38;
	[tilespmem:$0xC000] =	vst v63  }
0x2ff: {  	s8 =	sld [smem:$0x797];
	_ =	sdelay $0x1  }
0x300: {  	s30 =	sld [smem:$0x7CA]  }
0x301: {  	[hbm4b:s8+s5] =	stream.strided.scatter [tilespmem:s31], [sflag:$0x2], $0x1000, s6, s5, $0x38;
	[tilespmem:$0xC000] =	vst v63  }
0x302: {  	s8 =	sld [smem:$0x771];
	_ =	sdelay $0x1  }
0x303: {  	s31 =	sld [smem:$0x7CB]  }
0x304: {  	[hbm4b:s8+s5] =	stream.strided.scatter [tilespmem:s30], [sflag:$0x2], $0x1000, s6, s5, $0x38;
	[tilespmem:$0xC000] =	vst v63  }
0x305: {  	s8 =	sld [smem:$0x772];
	_ =	sdelay $0x1  }
0x306: {  	s30 =	sld [smem:$0x7CC]  }
0x307: {  	[hbm4b:s8+s5] =	stream.strided.scatter [tilespmem:s31], [sflag:$0x2], $0x1000, s6, s5, $0x38;
	[tilespmem:$0xC000] =	vst v63  }
0x308: {  	s8 =	sld [smem:$0x773];
	_ =	sdelay $0x1  }
0x309: {  	s31 =	sld [smem:$0x7CD]  }
0x30a: {  	[hbm4b:s8+s5] =	stream.strided.scatter [tilespmem:s30], [sflag:$0x2], $0x1000, s6, s5, $0x38;
	[tilespmem:$0xC000] =	vst v63  }
0x30b: {  	s8 =	sld [smem:$0x774];
	_ =	sdelay $0x1  }
0x30c: {  	s30 =	sld [smem:$0x7CE]  }
0x30d: {  	[hbm4b:s8+s5] =	stream.strided.scatter [tilespmem:s31], [sflag:$0x2], $0x1000, s6, s5, $0x38;
	[tilespmem:$0xC000] =	vst v63  }
0x30e: {  	s8 =	sld [smem:$0x775];
	_ =	sdelay $0x1  }
0x30f: {  	s31 =	sld [smem:$0x7CF]  }
0x310: {  	[hbm4b:s8+s5] =	stream.strided.scatter [tilespmem:s30], [sflag:$0x2], $0x1000, s6, s5, $0x38;
	[tilespmem:$0xC000] =	vst v63  }
0x311: {  	s8 =	sld [smem:$0x776];
	_ =	sdelay $0x1  }
0x312: {  	s30 =	sld [smem:$0x7D0]  }
0x313: {  	[hbm4b:s8+s5] =	stream.strided.scatter [tilespmem:s31], [sflag:$0x2], $0x1000, s6, s5, $0x38;
	[tilespmem:$0xC000] =	vst v63  }
0x314: {  	s8 =	sld [smem:$0x777];
	_ =	sdelay $0x1  }
0x315: {  	s31 =	sld [smem:$0x7D1]  }
0x316: {  	[hbm4b:s8+s5] =	stream.strided.scatter [tilespmem:s30], [sflag:$0x2], $0x1000, s6, s5, $0x38;
	[tilespmem:$0xC000] =	vst v63  }
0x317: {  	s8 =	sld [smem:$0x794];
	_ =	sdelay $0x1  }
0x318: {  	s30 =	sld [smem:$0x7D2]  }
0x319: {  	[hbm4b:s8+s5] =	stream.strided.scatter [tilespmem:s31], [sflag:$0x2], $0x1000, s6, s5, $0x38;
	[tilespmem:$0xC000] =	vst v63  }
0x31a: {  	s8 =	sld [smem:$0x778];
	_ =	sdelay $0x1  }
0x31b: {  	s31 =	sld [smem:$0x7D3]  }
0x31c: {  	[hbm4b:s8+s5] =	stream.strided.scatter [tilespmem:s30], [sflag:$0x2], $0x1000, s6, s5, $0x38;
	[tilespmem:$0xC000] =	vst v63  }
0x31d: {  	s8 =	sld [smem:$0x779];
	_ =	sdelay $0x1  }
0x31e: {  	s30 =	sld [smem:$0x7D4]  }
0x31f: {  	[hbm4b:s8+s5] =	stream.strided.scatter [tilespmem:s31], [sflag:$0x2], $0x1000, s6, s5, $0x38;
	[tilespmem:$0xC000] =	vst v63  }
0x320: {  	s8 =	sld [smem:$0x77A];
	_ =	sdelay $0x1  }
0x321: {  	s31 =	sld [smem:$0x7D5]  }
0x322: {  	[hbm4b:s8+s5] =	stream.strided.scatter [tilespmem:s30], [sflag:$0x2], $0x1000, s6, s5, $0x38;
	[tilespmem:$0xC000] =	vst v63  }
0x323: {  	s8 =	sld [smem:$0x77B];
	_ =	sdelay $0x1  }
0x324: {  	s30 =	sld [smem:$0x7D6]  }
0x325: {  	[hbm4b:s8+s5] =	stream.strided.scatter [tilespmem:s31], [sflag:$0x2], $0x1000, s6, s5, $0x38;
	[tilespmem:$0xC000] =	vst v63  }
0x326: {  	s8 =	sld [smem:$0x77C];
	_ =	sdelay $0x1  }
0x327: {  	s31 =	sld [smem:$0x7D7]  }
0x328: {  	[hbm4b:s8+s5] =	stream.strided.scatter [tilespmem:s30], [sflag:$0x2], $0x1000, s6, s5, $0x38;
	[tilespmem:$0xC000] =	vst v63  }
0x329: {  	s8 =	sld [smem:$0x77D];
	_ =	sdelay $0x1  }
0x32a: {  	s30 =	sld [smem:$0x7D8]  }
0x32b: {  	[hbm4b:s8+s5] =	stream.strided.scatter [tilespmem:s31], [sflag:$0x2], $0x1000, s6, s5, $0x38;
	[tilespmem:$0xC000] =	vst v63  }
0x32c: {  	s8 =	sld [smem:$0x77E];
	_ =	sdelay $0x1  }
0x32d: {  	s31 =	sld [smem:$0x7D9]  }
0x32e: {  	[hbm4b:s8+s5] =	stream.strided.scatter [tilespmem:s30], [sflag:$0x2], $0x1000, s6, s5, $0x38;
	[tilespmem:$0xC000] =	vst v63  }
0x32f: {  	s8 =	sld [smem:$0x78B];
	_ =	sdelay $0x1  }
0x330: {  	s30 =	sld [smem:$0x7DA]  }
0x331: {  	[hbm4b:s8+s5] =	stream.strided.scatter [tilespmem:s31], [sflag:$0x2], $0x1000, s6, s5, $0x38;
	[tilespmem:$0xC000] =	vst v63  }
0x332: {  	s8 =	sld [smem:$0x77F];
	_ =	sdelay $0x1  }
0x333: {  	s31 =	sld [smem:$0x7DB]  }
0x334: {  	[hbm4b:s8+s5] =	stream.strided.scatter [tilespmem:s30], [sflag:$0x2], $0x1000, s6, s5, $0x38;
	[tilespmem:$0xC000] =	vst v63  }
0x335: {  	s8 =	sld [smem:$0x780];
	_ =	sdelay $0x1  }
0x336: {  	s30 =	sld [smem:$0x7DC]  }
0x337: {  	[hbm4b:s8+s5] =	stream.strided.scatter [tilespmem:s31], [sflag:$0x2], $0x1000, s6, s5, $0x38;
	[tilespmem:$0xC000] =	vst v63  }
0x338: {  	s8 =	sld [smem:$0x781];
	_ =	sdelay $0x1  }
0x339: {  	s31 =	sld [smem:$0x7DD]  }
0x33a: {  	[hbm4b:s8+s5] =	stream.strided.scatter [tilespmem:s30], [sflag:$0x2], $0x1000, s6, s5, $0x38;
	[tilespmem:$0xC000] =	vst v63  }
0x33b: {  	s8 =	sld [smem:$0x782];
	_ =	sdelay $0x1  }
0x33c: {  	s30 =	sld [smem:$0x7DE]  }
0x33d: {  	[hbm4b:s8+s5] =	stream.strided.scatter [tilespmem:s31], [sflag:$0x2], $0x1000, s6, s5, $0x38;
	[tilespmem:$0xC000] =	vst v63  }
0x33e: {  	s8 =	sld [smem:$0x783];
	_ =	sdelay $0x1  }
0x33f: {  	s31 =	sld [smem:$0x7DF]  }
0x340: {  	[hbm4b:s8+s5] =	stream.strided.scatter [tilespmem:s30], [sflag:$0x2], $0x1000, s6, s5, $0x38;
	[tilespmem:$0xC000] =	vst v63  }
0x341: {  	s8 =	sld [smem:$0x784];
	_ =	sdelay $0x1  }
0x342: {  	s30 =	sld [smem:$0x7E0]  }
0x343: {  	[hbm4b:s8+s5] =	stream.strided.scatter [tilespmem:s31], [sflag:$0x2], $0x1000, s6, s5, $0x38;
	[tilespmem:$0xC000] =	vst v63  }
0x344: {  	s8 =	sld [smem:$0x785];
	_ =	sdelay $0x1  }
0x345: {  	s31 =	sld [smem:$0x7E1]  }
0x346: {  	[hbm4b:s8+s5] =	stream.strided.scatter [tilespmem:s30], [sflag:$0x2], $0x1000, s6, s5, $0x38;
	[tilespmem:$0xC000] =	vst v63  }
0x347: {  	s8 =	sld [smem:$0x78D];
	_ =	sdelay $0x1  }
0x348: {  	s30 =	sld [smem:$0x7E2]  }
0x349: {  	[hbm4b:s8+s5] =	stream.strided.scatter [tilespmem:s31], [sflag:$0x2], $0x1000, s6, s5, $0x38;
	[tilespmem:$0xC000] =	vst v63  }
0x34a: {  	s8 =	sld [smem:$0x786];
	_ =	sdelay $0x1  }
0x34b: {  	s31 =	sld [smem:$0x7E3]  }
0x34c: {  	[hbm4b:s8+s5] =	stream.strided.scatter [tilespmem:s30], [sflag:$0x2], $0x1000, s6, s5, $0x38;
	[tilespmem:$0xC000] =	vst v63  }
0x34d: {  	s8 =	sld [smem:$0x787];
	_ =	sdelay $0x1  }
0x34e: {  	s30 =	sld [smem:$0x7E4]  }
0x34f: {  	[hbm4b:s8+s5] =	stream.strided.scatter [tilespmem:s31], [sflag:$0x2], $0x1000, s6, s5, $0x38;
	[tilespmem:$0xC000] =	vst v63  }
0x350: {  	s8 =	sld [smem:$0x788];
	_ =	sdelay $0x1  }
0x351: {  	s31 =	sld [smem:$0x7E5]  }
0x352: {  	[hbm4b:s8+s5] =	stream.strided.scatter [tilespmem:s30], [sflag:$0x2], $0x1000, s6, s5, $0x38;
	[tilespmem:$0xC000] =	vst v63  }
0x353: {  	s8 =	sld [smem:$0x789];
	_ =	sdelay $0x1  }
0x354: {  	s30 =	sld [smem:$0x7E6]  }
0x355: {  	[hbm4b:s8+s5] =	stream.strided.scatter [tilespmem:s31], [sflag:$0x2], $0x1000, s6, s5, $0x38;
	[tilespmem:$0xC000] =	vst v63  }
0x356: {  	s8 =	sld [smem:$0x78A];
	_ =	sdelay $0x1  }
0x357: {  	s31 =	sld [smem:$0x7E7]  }
0x358: {  	[hbm4b:s8+s5] =	stream.strided.scatter [tilespmem:s30], [sflag:$0x2], $0x1000, s6, s5, $0x38;
	[tilespmem:$0xC000] =	vst v63  }
0x359: {  	s8 =	sld [smem:$0x78C];
	_ =	sdelay $0x1  }
0x35a: {  	s30 =	sld [smem:$0x7E8]  }
0x35b: {  	[hbm4b:s8+s5] =	stream.strided.scatter [tilespmem:s31], [sflag:$0x2], $0x1000, s6, s5, $0x38;
	[tilespmem:$0xC000] =	vst v63  }
0x35c: {  	s8 =	sld [smem:$0x78E];
	_ =	sdelay $0x1  }
0x35d: {  	s31 =	sld [smem:$0x7E9]  }
0x35e: {  	[hbm4b:s8+s5] =	stream.strided.scatter [tilespmem:s30], [sflag:$0x2], $0x1000, s6, s5, $0x38;
	[tilespmem:$0xC000] =	vst v63  }
0x35f: {  	s8 =	sld [smem:$0x79B];
	_ =	sdelay $0x1  }
0x360: {  	s30 =	sld [smem:$0x7EA]  }
0x361: {  	[hbm4b:s8+s5] =	stream.strided.scatter [tilespmem:s31], [sflag:$0x2], $0x1000, s6, s5, $0x38;
	[tilespmem:$0xC000] =	vst v63  }
0x362: {  	s8 =	sld [smem:$0x78F];
	_ =	sdelay $0x1  }
0x363: {  	s31 =	sld [smem:$0x7EB]  }
0x364: {  	[hbm4b:s8+s5] =	stream.strided.scatter [tilespmem:s30], [sflag:$0x2], $0x1000, s6, s5, $0x38;
	[tilespmem:$0xC000] =	vst v63  }
0x365: {  	s8 =	sld [smem:$0x793];
	_ =	sdelay $0x1  }
0x366: {  	s30 =	sld [smem:$0x7EC]  }
0x367: {  	[hbm4b:s8+s5] =	stream.strided.scatter [tilespmem:s31], [sflag:$0x2], $0x1000, s6, s5, $0x38;
	[tilespmem:$0xC000] =	vst v63  }
0x368: {  	s8 =	sld [smem:$0x796];
	_ =	sdelay $0x1  }
0x369: {  	s31 =	sld [smem:$0x7ED]  }
0x36a: {  	[hbm4b:s8+s5] =	stream.strided.scatter [tilespmem:s30], [sflag:$0x2], $0x1000, s6, s5, $0x38;
	[tilespmem:$0xC000] =	vst v63  }
0x36b: {  	s8 =	sld [smem:$0x799];
	_ =	sdelay $0x1  }
0x36c: {  	s30 =	sld [smem:$0x7EE]  }
0x36d: {  	[hbm4b:s8+s5] =	stream.strided.scatter [tilespmem:s31], [sflag:$0x2], $0x1000, s6, s5, $0x38;
	[tilespmem:$0xC000] =	vst v63  }
0x36e: {  	s8 =	sld [smem:$0x7EF]  }
0x36f: {  	[hbm4b:s13+s5] =	stream.strided.scatter [tilespmem:s30], [sflag:$0x2], $0x1000, s6, s5, $0x38;
	[tilespmem:$0xC000] =	vst v63  }
0x370: {  	s30 =	sld [smem:$0x7F0]  }
0x371: {  	[hbm4b:s7+s5] =	stream.strided.scatter [tilespmem:s8], [sflag:$0x2], $0x1000, s6, s5, $0x38;
	[tilespmem:$0xC000] =	vst v63  }
0x372: {  	_ = 	snop  }
0x373: {  	[hbm4b:s12+s5] =	stream.strided.scatter [tilespmem:s30], [sflag:$0x2], $0x1000, s6, s5, $0x38;
	[tilespmem:$0xC000] =	vst v63  }
0x374: {  	s30 =	sld [smem:$0x7F1]  }
0x375: {  	[hbm4b:s2+s5] =	stream.strided.scatter [tilespmem:s5], [sflag:$0x2], $0x1000, s6, s5, $0x38;
	[tilespmem:$0xC000] =	vst v63  }
0x376: {  	s8 =	sld [smem:$0x7F2]  }
0x377: {  	[hbm4b:s14+s5] =	stream.strided.scatter [tilespmem:s30], [sflag:$0x2], $0x1000, s6, s5, $0x38;
	[tilespmem:$0xC000] =	vst v63  }
0x378: {  	s30 =	sld [smem:$0x7F3]  }
0x379: {  	[hbm4b:s10+s5] =	stream.strided.scatter [tilespmem:s8], [sflag:$0x2], $0x1000, s6, s5, $0x38;
	[tilespmem:$0xC000] =	vst v63  }
0x37a: {  	s8 =	sld [smem:$0x7F4]  }
0x37b: {  	[hbm4b:s15+s5] =	stream.strided.scatter [tilespmem:s30], [sflag:$0x2], $0x1000, s6, s5, $0x38;
	[tilespmem:$0xC000] =	vst v63  }
0x37c: {  	s30 =	sld [smem:$0x7F5]  }
0x37d: {  	[hbm4b:s16+s5] =	stream.strided.scatter [tilespmem:s8], [sflag:$0x2], $0x1000, s6, s5, $0x38;
	[tilespmem:$0xC000] =	vst v63  }
0x37e: {  	s8 =	sld [smem:$0x7F6]  }
0x37f: {  	[hbm4b:s17+s5] =	stream.strided.scatter [tilespmem:s30], [sflag:$0x2], $0x1000, s6, s5, $0x38;
	[tilespmem:$0xC000] =	vst v63  }
0x380: {  	s30 =	sld [smem:$0x7F7]  }
0x381: {  	[hbm4b:s18+s5] =	stream.strided.scatter [tilespmem:s8], [sflag:$0x2], $0x1000, s6, s5, $0x38;
	[tilespmem:$0xC000] =	vst v63  }
0x382: {  	_ = 	snop  }
0x383: {  	[hbm4b:s19+s5] =	stream.strided.scatter [tilespmem:s30], [sflag:$0x2], $0x1000, s6, s5, $0x38;
	[tilespmem:$0xC000] =	vst v63  }
0x384: {  	_ = 	snop  }
0x385: {  	[hbm4b:s0+s5] =	stream.strided.scatter [tilespmem:s1], [sflag:$0x2], $0x1000, s6, s5, $0x38;
	[tilespmem:$0xC000] =	vst v63  }
0x386: {  	s30 =	sld [smem:$0x7F8]  }
0x387: {  	[hbm4b:s20+s5] =	stream.strided.scatter [tilespmem:s4], [sflag:$0x2], $0x1000, s6, s5, $0x38;
	[tilespmem:$0xC000] =	vst v63  }
0x388: {  	s8 =	sld [smem:$0x7F9]  }
0x389: {  	[hbm4b:s21+s5] =	stream.strided.scatter [tilespmem:s30], [sflag:$0x2], $0x1000, s6, s5, $0x38;
	[tilespmem:$0xC000] =	vst v63  }
0x38a: {  	s30 =	sld [smem:$0x7FA]  }
0x38b: {  	[hbm4b:s22+s5] =	stream.strided.scatter [tilespmem:s8], [sflag:$0x2], $0x1000, s6, s5, $0x38;
	[tilespmem:$0xC000] =	vst v63  }
0x38c: {  	s8 =	sld [smem:$0x7FB]  }
0x38d: {  	[hbm4b:s24+s5] =	stream.strided.scatter [tilespmem:s30], [sflag:$0x2], $0x1000, s6, s5, $0x38;
	[tilespmem:$0xC000] =	vst v63  }
0x38e: {  	s30 =	sld [smem:$0x7FC]  }
0x38f: {  	[hbm4b:s25+s5] =	stream.strided.scatter [tilespmem:s8], [sflag:$0x2], $0x1000, s6, s5, $0x38;
	[tilespmem:$0xC000] =	vst v63  }
0x390: {  	s8 =	sld [smem:$0x7FD]  }
0x391: {  	[hbm4b:s26+s5] =	stream.strided.scatter [tilespmem:s30], [sflag:$0x2], $0x1000, s6, s5, $0x38;
	[tilespmem:$0xC000] =	vst v63  }
0x392: {  	_ = 	snop  }
0x393: {  	[hbm4b:s28+s5] =	stream.strided.scatter [tilespmem:s8], [sflag:$0x2], $0x1000, s6, s5, $0x38;
	[tilespmem:$0xC000] =	vst v63  }
0x394: {  	_ =	swait.ge [sflag:s3], $0x8000  }
0x395: {  	[sflag:s3] =	ssyncset.done $0x0  }
0x396: {  	[sflag:s3] =	ssyncadd.s32 $0xFFFF8000  }
0x397: {  	_ =	swait.ge [sflag:s3], $0x8000  }
0x398: {  	[sflag:s3] =	ssyncset.done $0x0  }
0x399: {  	[sflag:s3] =	ssyncadd.s32 $0xFFFF8000  }
0x39a: {  	_ =	swait.ge [sflag:s3], $0x8000  }
0x39b: {  	[sflag:s3] =	ssyncset.done $0x0  }
0x39c: {  	[sflag:s3] =	ssyncadd.s32 $0xFFFF8000  }
0x39d: {  	_ =	swait.ge [sflag:s3], $0x8000  }
0x39e: {  	[sflag:s3] =	ssyncset.done $0x0  }
0x39f: {  	[sflag:s3] =	ssyncadd.s32 $0xFFFF8000  }
0x3a0: {  	_ =	swait.ge [sflag:s3], $0x8000  }
0x3a1: {  	[sflag:s3] =	ssyncset.done $0x0  }
0x3a2: {  	[sflag:s3] =	ssyncadd.s32 $0xFFFF8000  }
0x3a3: {  	_ =	swait.ge [sflag:s3], $0x8000  }
0x3a4: {  	[sflag:s3] =	ssyncset.done $0x0  }
0x3a5: {  	[sflag:s3] =	ssyncadd.s32 $0xFFFF8000  }
0x3a6: {  	_ =	swait.ge [sflag:s3], $0x8000  }
0x3a7: {  	[sflag:s3] =	ssyncset.done $0x0  }
0x3a8: {  	[sflag:s3] =	ssyncadd.s32 $0xFFFF8000  }
0x3a9: {  	_ =	swait.ge [sflag:s3], $0x8000  }
0x3aa: {  	[sflag:s3] =	ssyncset.done $0x0  }
0x3ab: {  	[sflag:s3] =	ssyncadd.s32 $0xFFFF8000  }
0x3ac: {  	_ =	swait.ge [sflag:s3], $0x8000  }
0x3ad: {  	[sflag:s3] =	ssyncset.done $0x0  }
0x3ae: {  	[sflag:s3] =	ssyncadd.s32 $0xFFFF8000  }
0x3af: {  	_ =	swait.ge [sflag:s3], $0x8000  }
0x3b0: {  	[sflag:s3] =	ssyncset.done $0x0  }
0x3b1: {  	[sflag:s3] =	ssyncadd.s32 $0xFFFF8000  }
0x3b2: {  	_ =	swait.ge [sflag:s3], $0x8000  }
0x3b3: {  	[sflag:s3] =	ssyncset.done $0x0  }
0x3b4: {  	[sflag:s3] =	ssyncadd.s32 $0xFFFF8000  }
0x3b5: {  	_ =	swait.ge [sflag:s3], $0x8000  }
0x3b6: {  	[sflag:s3] =	ssyncset.done $0x0  }
0x3b7: {  	[sflag:s3] =	ssyncadd.s32 $0xFFFF8000  }
0x3b8: {  	_ =	swait.ge [sflag:s3], $0x8000  }
0x3b9: {  	[sflag:s3] =	ssyncset.done $0x0  }
0x3ba: {  	[sflag:s3] =	ssyncadd.s32 $0xFFFF8000  }
0x3bb: {  	_ =	swait.ge [sflag:s3], $0x8000  }
0x3bc: {  	[sflag:s3] =	ssyncset.done $0x0  }
0x3bd: {  	p1 =	sne.s32 s29, $0x1;
	[sflag:s3] =	ssyncadd.s32 $0xFFFF8000  }
.Ltmp2:
0x3be: {  	_ =	swait.ge [sflag:s3], $0x8000;
	(pc) =	sbr.rel @p1 .LBB2_3-.Ltmp2, $4  }
0x3bf: {  	[sflag:s3] =	ssyncset.done $0x0  }
0x3c0: {  	[sflag:s3] =	ssyncadd.s32 $0xFFFF8000  }
0x3c1: {  	_ =	swait.ge [sflag:s3], $0x8000  }
0x3c2: {  	s29 =	sadd.s32 $0xFFFFFFFF, s29;
	s30 =	rddreg [dreg:$0x3];
	[sflag:s3] =	ssyncset.done $0x0  }
0x3c3: {  	s8 =	rddreg [dreg:$0x2]  }
0x3c4: {  	s14 =	sld [smem:$0x79B]  }
0x3c5: {  	s7 =	sld [smem:$0x78D]  }
0x3c6: {  	s4 =	sld [smem:$0x78B]  }
0x3c7: {  	s16 =	sld [smem:$0x794]  }
0x3c8: {  	s26 =	sld [smem:$0x797]  }
0x3c9: {  	s13 =	sld [smem:$0x790]  }
0x3ca: {  	s15 =	sld [smem:$0x79A]  }
0x3cb: {  	s20 =	sld [smem:$0x791]  }
0x3cc: {  	s18 =	stileid.u32;
	s17 =	sld [smem:$0x79C]  }
0x3cd: {  	s21 =	simm.s32 $0x0;
	s31 =	smov.u32 s0;
	s10 =	sld [smem:$0x795]  }
0x3ce: {  	s22 =	smov.u32 s2;
	s19 =	smov.u32 s11;
	s11 =	sld [smem:$0x798]  }
0x3cf: {  	s24 =	simm.s32 $0x1800;
	s25 =	smov.u32 s9;
	s9 =	sld [smem:$0x792]  }
.LBB2_5:
0x3d0: {  	s0 =	rddreg [dreg:$0x4];
	[sflag:s3] =	ssyncadd.s32 @p0 $0xFFFF8000  }
0x3d1: {  	[tilespmem:s21], [sflag:$0x1] =	stream.strided.gather [hbm4b:s30+s24], $0xC000, s0, s24, $0x38;
	[tilespmem:$0xC000] =	vst v63  }
0x3d2: {  	_ =	swait.ge [sflag:s23], $0xC000  }
0x3d3: {  	s29 =	rddreg [dreg:$0x5];
	[sflag:s23] =	ssyncset.done $0x0  }
0x3d4: {  	s1 =	rddreg [dreg:$0x6];
	[sflag:s23] =	ssyncadd.s32 $0xFFFF4000  }
0x3d5: {  	[hbm4b:s9+s5] =	stream.strided.scatter [tilespmem:s29], [sflag:$0x2], $0x1000, s6, s5, $0x38;
	[tilespmem:$0xC000] =	vst v63  }
0x3d6: {  	s30 =	sadd.s32 $0x10, s9;
	s2 =	rddreg [dreg:$0x7]  }
0x3d7: {  	[hbm4b:s30+s5] =	stream.strided.scatter [tilespmem:s1], [sflag:$0x2], $0x1000, s6, s5, $0x38;
	[tilespmem:$0xC000] =	vst v63  }
0x3d8: {  	s12 =	rddreg [dreg:$0x8];
	s1 =	sadd.s32 $0x20, s9  }
0x3d9: {  	[hbm4b:s1+s5] =	stream.strided.scatter [tilespmem:s2], [sflag:$0x2], $0x1000, s6, s5, $0x38;
	[tilespmem:$0xC000] =	vst v63  }
0x3da: {  	s28 =	rddreg [dreg:$0x9];
	s23 =	sadd.s32 $0x30, s9  }
0x3db: {  	[hbm4b:s23+s5] =	stream.strided.scatter [tilespmem:s12], [sflag:$0x2], $0x1000, s6, s5, $0x38;
	[tilespmem:$0xC000] =	vst v63  }
0x3dc: {  	s29 =	sadd.s32 $0x40, s9;
	s30 =	rddreg [dreg:$0xa]  }
0x3dd: {  	[hbm4b:s29+s5] =	stream.strided.scatter [tilespmem:s28], [sflag:$0x2], $0x1000, s6, s5, $0x38;
	[tilespmem:$0xC000] =	vst v63  }
0x3de: {  	s2 =	sadd.s32 $0x50, s9;
	s1 =	rddreg [dreg:$0xe]  }
0x3df: {  	[hbm4b:s2+s5] =	stream.strided.scatter [tilespmem:s30], [sflag:$0x2], $0x1000, s6, s5, $0x38;
	[tilespmem:$0xC000] =	vst v63  }
0x3e0: {  	s12 =	rddreg [dreg:$0xb];
	s23 =	sadd.s32 $0x60, s9  }
0x3e1: {  	[hbm4b:s23+s5] =	stream.strided.scatter [tilespmem:s12], [sflag:$0x2], $0x1000, s6, s5, $0x38;
	[tilespmem:$0xC000] =	vst v63  }
0x3e2: {  	s28 =	rddreg [dreg:$0xc];
	s29 =	sadd.s32 $0x70, s9  }
0x3e3: {  	[hbm4b:s29+s5] =	stream.strided.scatter [tilespmem:s28], [sflag:$0x2], $0x1000, s6, s5, $0x38;
	[tilespmem:$0xC000] =	vst v63  }
0x3e4: {  	s30 =	rddreg [dreg:$0xd]  }
0x3e5: {  	[hbm4b:s25+s5] =	stream.strided.scatter [tilespmem:s30], [sflag:$0x2], $0x1000, s6, s5, $0x38;
	[tilespmem:$0xC000] =	vst v63  }
0x3e6: {  	s9 =	sadd.s32 $0x10, s25;
	s12 =	rddreg [dreg:$0xf]  }
0x3e7: {  	[hbm4b:s9+s5] =	stream.strided.scatter [tilespmem:s1], [sflag:$0x2], $0x1000, s6, s5, $0x38;
	[tilespmem:$0xC000] =	vst v63  }
0x3e8: {  	s23 =	sadd.s32 $0x20, s25;
	s28 =	rddreg [dreg:$0x10]  }
0x3e9: {  	[hbm4b:s23+s5] =	stream.strided.scatter [tilespmem:s12], [sflag:$0x2], $0x1000, s6, s5, $0x38;
	[tilespmem:$0xC000] =	vst v63  }
0x3ea: {  	s29 =	sadd.s32 $0x30, s25;
	s30 =	rddreg [dreg:$0x11]  }
0x3eb: {  	[hbm4b:s29+s5] =	stream.strided.scatter [tilespmem:s28], [sflag:$0x2], $0x1000, s6, s5, $0x38;
	[tilespmem:$0xC000] =	vst v63  }
0x3ec: {  	s9 =	sadd.s32 $0x40, s25;
	s12 =	rddreg [dreg:$0x12]  }
0x3ed: {  	[hbm4b:s9+s5] =	stream.strided.scatter [tilespmem:s30], [sflag:$0x2], $0x1000, s6, s5, $0x38;
	[tilespmem:$0xC000] =	vst v63  }
0x3ee: {  	s23 =	sadd.s32 $0x50, s25;
	s28 =	rddreg [dreg:$0x13]  }
0x3ef: {  	[hbm4b:s23+s5] =	stream.strided.scatter [tilespmem:s12], [sflag:$0x2], $0x1000, s6, s5, $0x38;
	[tilespmem:$0xC000] =	vst v63  }
0x3f0: {  	s29 =	sadd.s32 $0x60, s25;
	s30 =	rddreg [dreg:$0x14]  }
0x3f1: {  	[hbm4b:s29+s5] =	stream.strided.scatter [tilespmem:s28], [sflag:$0x2], $0x1000, s6, s5, $0x38;
	[tilespmem:$0xC000] =	vst v63  }
0x3f2: {  	s9 =	sadd.s32 $0x70, s25;
	s12 =	rddreg [dreg:$0x15]  }
0x3f3: {  	[hbm4b:s9+s5] =	stream.strided.scatter [tilespmem:s30], [sflag:$0x2], $0x1000, s6, s5, $0x38;
	[tilespmem:$0xC000] =	vst v63  }
0x3f4: {  	s23 =	rddreg [dreg:$0x16]  }
0x3f5: {  	[hbm4b:s11+s5] =	stream.strided.scatter [tilespmem:s12], [sflag:$0x2], $0x1000, s6, s5, $0x38;
	[tilespmem:$0xC000] =	vst v63  }
0x3f6: {  	s25 =	sadd.s32 $0x10, s11;
	s28 =	rddreg [dreg:$0x17]  }
0x3f7: {  	[hbm4b:s25+s5] =	stream.strided.scatter [tilespmem:s23], [sflag:$0x2], $0x1000, s6, s5, $0x38;
	[tilespmem:$0xC000] =	vst v63  }
0x3f8: {  	s29 =	sadd.s32 $0x20, s11;
	s30 =	rddreg [dreg:$0x18]  }
0x3f9: {  	[hbm4b:s29+s5] =	stream.strided.scatter [tilespmem:s28], [sflag:$0x2], $0x1000, s6, s5, $0x38;
	[tilespmem:$0xC000] =	vst v63  }
0x3fa: {  	s2 =	sadd.s32 $0x30, s11;
	s9 =	rddreg [dreg:$0x19]  }
0x3fb: {  	[hbm4b:s2+s5] =	stream.strided.scatter [tilespmem:s30], [sflag:$0x2], $0x1000, s6, s5, $0x38;
	[tilespmem:$0xC000] =	vst v63  }
0x3fc: {  	s12 =	sadd.s32 $0x40, s11;
	s23 =	rddreg [dreg:$0x1a]  }
0x3fd: {  	[hbm4b:s12+s5] =	stream.strided.scatter [tilespmem:s9], [sflag:$0x2], $0x1000, s6, s5, $0x38;
	[tilespmem:$0xC000] =	vst v63  }
0x3fe: {  	s25 =	sadd.s32 $0x50, s11;
	s28 =	rddreg [dreg:$0x1b]  }
0x3ff: {  	[hbm4b:s25+s5] =	stream.strided.scatter [tilespmem:s23], [sflag:$0x2], $0x1000, s6, s5, $0x38;
	[tilespmem:$0xC000] =	vst v63  }
0x400: {  	s29 =	sadd.s32 $0x60, s11;
	s30 =	rddreg [dreg:$0x1c]  }
0x401: {  	[hbm4b:s29+s5] =	stream.strided.scatter [tilespmem:s28], [sflag:$0x2], $0x1000, s6, s5, $0x38;
	[tilespmem:$0xC000] =	vst v63  }
0x402: {  	s2 =	sadd.s32 $0x70, s11;
	s11 =	rddreg [dreg:$0x1e]  }
0x403: {  	[hbm4b:s2+s5] =	stream.strided.scatter [tilespmem:s30], [sflag:$0x2], $0x1000, s6, s5, $0x38;
	[tilespmem:$0xC000] =	vst v63  }
0x404: {  	s9 =	rddreg [dreg:$0x1d]  }
0x405: {  	[hbm4b:s19+s5] =	stream.strided.scatter [tilespmem:s9], [sflag:$0x2], $0x1000, s6, s5, $0x38;
	[tilespmem:$0xC000] =	vst v63  }
0x406: {  	s12 =	sadd.s32 $0x10, s19;
	s23 =	rddreg [dreg:$0x1f]  }
0x407: {  	[hbm4b:s12+s5] =	stream.strided.scatter [tilespmem:s11], [sflag:$0x2], $0x1000, s6, s5, $0x38;
	[tilespmem:$0xC000] =	vst v63  }
0x408: {  	s25 =	sadd.s32 $0x20, s19;
	s28 =	sld [smem:$0x79D]  }
0x409: {  	[hbm4b:s25+s5] =	stream.strided.scatter [tilespmem:s23], [sflag:$0x2], $0x1000, s6, s5, $0x38;
	[tilespmem:$0xC000] =	vst v63  }
0x40a: {  	s29 =	sadd.s32 $0x30, s19;
	s30 =	sld [smem:$0x79E]  }
0x40b: {  	[hbm4b:s29+s5] =	stream.strided.scatter [tilespmem:s28], [sflag:$0x2], $0x1000, s6, s5, $0x38;
	[tilespmem:$0xC000] =	vst v63  }
0x40c: {  	s9 =	sadd.s32 $0x40, s19;
	s11 =	sld [smem:$0x79F]  }
0x40d: {  	[hbm4b:s9+s5] =	stream.strided.scatter [tilespmem:s30], [sflag:$0x2], $0x1000, s6, s5, $0x38;
	[tilespmem:$0xC000] =	vst v63  }
0x40e: {  	s12 =	sadd.s32 $0x50, s19;
	s23 =	sld [smem:$0x7A0]  }
0x40f: {  	[hbm4b:s12+s5] =	stream.strided.scatter [tilespmem:s11], [sflag:$0x2], $0x1000, s6, s5, $0x38;
	[tilespmem:$0xC000] =	vst v63  }
0x410: {  	s25 =	sadd.s32 $0x60, s19;
	s28 =	sld [smem:$0x7A1]  }
0x411: {  	[hbm4b:s25+s5] =	stream.strided.scatter [tilespmem:s23], [sflag:$0x2], $0x1000, s6, s5, $0x38;
	[tilespmem:$0xC000] =	vst v63  }
0x412: {  	s29 =	sadd.s32 $0x70, s19;
	s30 =	sld [smem:$0x7A2]  }
0x413: {  	[hbm4b:s29+s5] =	stream.strided.scatter [tilespmem:s28], [sflag:$0x2], $0x1000, s6, s5, $0x38;
	[tilespmem:$0xC000] =	vst v63  }
0x414: {  	s1 =	sld [smem:$0x7A3]  }
0x415: {  	[hbm4b:s10+s5] =	stream.strided.scatter [tilespmem:s30], [sflag:$0x2], $0x1000, s6, s5, $0x38;
	[tilespmem:$0xC000] =	vst v63  }
0x416: {  	s2 =	sadd.s32 $0x10, s10;
	s9 =	sld [smem:$0x7A4]  }
0x417: {  	[hbm4b:s2+s5] =	stream.strided.scatter [tilespmem:s1], [sflag:$0x2], $0x1000, s6, s5, $0x38;
	[tilespmem:$0xC000] =	vst v63  }
0x418: {  	s11 =	sadd.s32 $0x20, s10;
	s12 =	sld [smem:$0x7A5]  }
0x419: {  	[hbm4b:s11+s5] =	stream.strided.scatter [tilespmem:s9], [sflag:$0x2], $0x1000, s6, s5, $0x38;
	[tilespmem:$0xC000] =	vst v63  }
0x41a: {  	s19 =	sadd.s32 $0x30, s10;
	s23 =	sld [smem:$0x7A6]  }
0x41b: {  	[hbm4b:s19+s5] =	stream.strided.scatter [tilespmem:s12], [sflag:$0x2], $0x1000, s6, s5, $0x38;
	[tilespmem:$0xC000] =	vst v63  }
0x41c: {  	s25 =	sadd.s32 $0x40, s10;
	s28 =	sld [smem:$0x7A7]  }
0x41d: {  	[hbm4b:s25+s5] =	stream.strided.scatter [tilespmem:s23], [sflag:$0x2], $0x1000, s6, s5, $0x38;
	[tilespmem:$0xC000] =	vst v63  }
0x41e: {  	s29 =	sadd.s32 $0x50, s10;
	s30 =	sld [smem:$0x7A8]  }
0x41f: {  	[hbm4b:s29+s5] =	stream.strided.scatter [tilespmem:s28], [sflag:$0x2], $0x1000, s6, s5, $0x38;
	[tilespmem:$0xC000] =	vst v63  }
0x420: {  	s9 =	sadd.s32 $0x60, s10;
	s11 =	sld [smem:$0x7A9]  }
0x421: {  	[hbm4b:s9+s5] =	stream.strided.scatter [tilespmem:s30], [sflag:$0x2], $0x1000, s6, s5, $0x38;
	[tilespmem:$0xC000] =	vst v63  }
0x422: {  	s12 =	sadd.s32 $0x70, s10;
	s19 =	sld [smem:$0x7AA]  }
0x423: {  	[hbm4b:s12+s5] =	stream.strided.scatter [tilespmem:s11], [sflag:$0x2], $0x1000, s6, s5, $0x38;
	[tilespmem:$0xC000] =	vst v63  }
0x424: {  	s23 =	sld [smem:$0x7AB]  }
0x425: {  	[hbm4b:s17+s5] =	stream.strided.scatter [tilespmem:s19], [sflag:$0x2], $0x1000, s6, s5, $0x38;
	[tilespmem:$0xC000] =	vst v63  }
0x426: {  	s25 =	sadd.s32 $0x10, s17;
	s28 =	sld [smem:$0x7AC]  }
0x427: {  	[hbm4b:s25+s5] =	stream.strided.scatter [tilespmem:s23], [sflag:$0x2], $0x1000, s6, s5, $0x38;
	[tilespmem:$0xC000] =	vst v63  }
0x428: {  	s29 =	sadd.s32 $0x20, s17;
	s30 =	sld [smem:$0x7AD]  }
0x429: {  	[hbm4b:s29+s5] =	stream.strided.scatter [tilespmem:s28], [sflag:$0x2], $0x1000, s6, s5, $0x38;
	[tilespmem:$0xC000] =	vst v63  }
0x42a: {  	s10 =	sld [smem:$0x7AE];
	s9 =	sadd.s32 $0x30, s17  }
0x42b: {  	[hbm4b:s9+s5] =	stream.strided.scatter [tilespmem:s30], [sflag:$0x2], $0x1000, s6, s5, $0x38;
	[tilespmem:$0xC000] =	vst v63  }
0x42c: {  	s11 =	sadd.s32 $0x40, s17;
	s12 =	sld [smem:$0x7AF]  }
0x42d: {  	[hbm4b:s11+s5] =	stream.strided.scatter [tilespmem:s10], [sflag:$0x2], $0x1000, s6, s5, $0x38;
	[tilespmem:$0xC000] =	vst v63  }
0x42e: {  	s19 =	sadd.s32 $0x50, s17;
	s23 =	sld [smem:$0x7B0]  }
0x42f: {  	[hbm4b:s19+s5] =	stream.strided.scatter [tilespmem:s12], [sflag:$0x2], $0x1000, s6, s5, $0x38;
	[tilespmem:$0xC000] =	vst v63  }
0x430: {  	s25 =	sadd.s32 $0x60, s17;
	s28 =	sld [smem:$0x7B1]  }
0x431: {  	[hbm4b:s25+s5] =	stream.strided.scatter [tilespmem:s23], [sflag:$0x2], $0x1000, s6, s5, $0x38;
	[tilespmem:$0xC000] =	vst v63  }
0x432: {  	s29 =	sadd.s32 $0x70, s17;
	s30 =	sld [smem:$0x7B2]  }
0x433: {  	[hbm4b:s29+s5] =	stream.strided.scatter [tilespmem:s28], [sflag:$0x2], $0x1000, s6, s5, $0x38;
	[tilespmem:$0xC000] =	vst v63  }
0x434: {  	s1 =	sld [smem:$0x7B3]  }
0x435: {  	[hbm4b:s20+s5] =	stream.strided.scatter [tilespmem:s30], [sflag:$0x2], $0x1000, s6, s5, $0x38;
	[tilespmem:$0xC000] =	vst v63  }
0x436: {  	s2 =	sadd.s32 $0x10, s20;
	s9 =	sld [smem:$0x7B4]  }
0x437: {  	[hbm4b:s2+s5] =	stream.strided.scatter [tilespmem:s1], [sflag:$0x2], $0x1000, s6, s5, $0x38;
	[tilespmem:$0xC000] =	vst v63  }
0x438: {  	s10 =	sadd.s32 $0x20, s20;
	s11 =	sld [smem:$0x7B5]  }
0x439: {  	[hbm4b:s10+s5] =	stream.strided.scatter [tilespmem:s9], [sflag:$0x2], $0x1000, s6, s5, $0x38;
	[tilespmem:$0xC000] =	vst v63  }
0x43a: {  	s17 =	sld [smem:$0x7B6];
	s12 =	sadd.s32 $0x30, s20  }
0x43b: {  	[hbm4b:s12+s5] =	stream.strided.scatter [tilespmem:s11], [sflag:$0x2], $0x1000, s6, s5, $0x38;
	[tilespmem:$0xC000] =	vst v63  }
0x43c: {  	s19 =	sadd.s32 $0x40, s20;
	s23 =	sld [smem:$0x7B7]  }
0x43d: {  	[hbm4b:s19+s5] =	stream.strided.scatter [tilespmem:s17], [sflag:$0x2], $0x1000, s6, s5, $0x38;
	[tilespmem:$0xC000] =	vst v63  }
0x43e: {  	s25 =	sadd.s32 $0x50, s20;
	s28 =	sld [smem:$0x7B8]  }
0x43f: {  	[hbm4b:s25+s5] =	stream.strided.scatter [tilespmem:s23], [sflag:$0x2], $0x1000, s6, s5, $0x38;
	[tilespmem:$0xC000] =	vst v63  }
0x440: {  	s29 =	sadd.s32 $0x60, s20;
	s30 =	sld [smem:$0x7B9]  }
0x441: {  	[hbm4b:s29+s5] =	stream.strided.scatter [tilespmem:s28], [sflag:$0x2], $0x1000, s6, s5, $0x38;
	[tilespmem:$0xC000] =	vst v63  }
0x442: {  	s9 =	sadd.s32 $0x70, s20  }
0x443: {  	[hbm4b:s9+s5] =	stream.strided.scatter [tilespmem:s30], [sflag:$0x2], $0x1000, s6, s5, $0x38;
	[tilespmem:$0xC000] =	vst v63  }
0x444: {  	s10 =	sld [smem:$0x7BA]  }
0x445: {  	[hbm4b:s15+s5] =	stream.strided.scatter [tilespmem:s6], [sflag:$0x2], $0x1000, s6, s5, $0x38;
	[tilespmem:$0xC000] =	vst v63  }
0x446: {  	s11 =	sadd.s32 $0x10, s15;
	s12 =	sld [smem:$0x7BB]  }
0x447: {  	[hbm4b:s11+s5] =	stream.strided.scatter [tilespmem:s10], [sflag:$0x2], $0x1000, s6, s5, $0x38;
	[tilespmem:$0xC000] =	vst v63  }
0x448: {  	s17 =	sadd.s32 $0x20, s15;
	s19 =	sld [smem:$0x7BC]  }
0x449: {  	[hbm4b:s17+s5] =	stream.strided.scatter [tilespmem:s12], [sflag:$0x2], $0x1000, s6, s5, $0x38;
	[tilespmem:$0xC000] =	vst v63  }
0x44a: {  	s20 =	sadd.s32 $0x30, s15;
	s23 =	sld [smem:$0x7BD]  }
0x44b: {  	[hbm4b:s20+s5] =	stream.strided.scatter [tilespmem:s19], [sflag:$0x2], $0x1000, s6, s5, $0x38;
	[tilespmem:$0xC000] =	vst v63  }
0x44c: {  	s25 =	sadd.s32 $0x40, s15;
	s28 =	sld [smem:$0x7BE]  }
0x44d: {  	[hbm4b:s25+s5] =	stream.strided.scatter [tilespmem:s23], [sflag:$0x2], $0x1000, s6, s5, $0x38;
	[tilespmem:$0xC000] =	vst v63  }
0x44e: {  	s29 =	sadd.s32 $0x50, s15;
	s30 =	sld [smem:$0x7BF]  }
0x44f: {  	[hbm4b:s29+s5] =	stream.strided.scatter [tilespmem:s28], [sflag:$0x2], $0x1000, s6, s5, $0x38;
	[tilespmem:$0xC000] =	vst v63  }
0x450: {  	s9 =	sadd.s32 $0x60, s15;
	s10 =	sld [smem:$0x7C0]  }
0x451: {  	[hbm4b:s9+s5] =	stream.strided.scatter [tilespmem:s30], [sflag:$0x2], $0x1000, s6, s5, $0x38;
	[tilespmem:$0xC000] =	vst v63  }
0x452: {  	s11 =	sadd.s32 $0x70, s15;
	s12 =	sld [smem:$0x7C1]  }
0x453: {  	[hbm4b:s11+s5] =	stream.strided.scatter [tilespmem:s10], [sflag:$0x2], $0x1000, s6, s5, $0x38;
	[tilespmem:$0xC000] =	vst v63  }
0x454: {  	s15 =	sld [smem:$0x7C2]  }
0x455: {  	[hbm4b:s13+s5] =	stream.strided.scatter [tilespmem:s12], [sflag:$0x2], $0x1000, s6, s5, $0x38;
	[tilespmem:$0xC000] =	vst v63  }
0x456: {  	s17 =	sadd.s32 $0x10, s13;
	s19 =	sld [smem:$0x7C3]  }
0x457: {  	[hbm4b:s17+s5] =	stream.strided.scatter [tilespmem:s15], [sflag:$0x2], $0x1000, s6, s5, $0x38;
	[tilespmem:$0xC000] =	vst v63  }
0x458: {  	s20 =	sadd.s32 $0x20, s13;
	s23 =	sld [smem:$0x7C4]  }
0x459: {  	[hbm4b:s20+s5] =	stream.strided.scatter [tilespmem:s19], [sflag:$0x2], $0x1000, s6, s5, $0x38;
	[tilespmem:$0xC000] =	vst v63  }
0x45a: {  	s25 =	sadd.s32 $0x30, s13;
	s28 =	sld [smem:$0x7C5]  }
0x45b: {  	[hbm4b:s25+s5] =	stream.strided.scatter [tilespmem:s23], [sflag:$0x2], $0x1000, s6, s5, $0x38;
	[tilespmem:$0xC000] =	vst v63  }
0x45c: {  	s29 =	sadd.s32 $0x40, s13;
	s30 =	sld [smem:$0x7C6]  }
0x45d: {  	[hbm4b:s29+s5] =	stream.strided.scatter [tilespmem:s28], [sflag:$0x2], $0x1000, s6, s5, $0x38;
	[tilespmem:$0xC000] =	vst v63  }
0x45e: {  	s2 =	sadd.s32 $0x50, s13;
	s9 =	sld [smem:$0x7C7]  }
0x45f: {  	[hbm4b:s2+s5] =	stream.strided.scatter [tilespmem:s30], [sflag:$0x2], $0x1000, s6, s5, $0x38;
	[tilespmem:$0xC000] =	vst v63  }
0x460: {  	s10 =	sadd.s32 $0x60, s13;
	s11 =	sld [smem:$0x7C8]  }
0x461: {  	[hbm4b:s10+s5] =	stream.strided.scatter [tilespmem:s9], [sflag:$0x2], $0x1000, s6, s5, $0x38;
	[tilespmem:$0xC000] =	vst v63  }
0x462: {  	s12 =	sadd.s32 $0x70, s13;
	s13 =	sld [smem:$0x7C9]  }
0x463: {  	[hbm4b:s12+s5] =	stream.strided.scatter [tilespmem:s11], [sflag:$0x2], $0x1000, s6, s5, $0x38;
	[tilespmem:$0xC000] =	vst v63  }
0x464: {  	s15 =	sld [smem:$0x7CA]  }
0x465: {  	[hbm4b:s26+s5] =	stream.strided.scatter [tilespmem:s13], [sflag:$0x2], $0x1000, s6, s5, $0x38;
	[tilespmem:$0xC000] =	vst v63  }
0x466: {  	s17 =	sadd.s32 $0x10, s26;
	s19 =	sld [smem:$0x7CB]  }
0x467: {  	[hbm4b:s17+s5] =	stream.strided.scatter [tilespmem:s15], [sflag:$0x2], $0x1000, s6, s5, $0x38;
	[tilespmem:$0xC000] =	vst v63  }
0x468: {  	s20 =	sadd.s32 $0x20, s26;
	s23 =	sld [smem:$0x7CC]  }
0x469: {  	[hbm4b:s20+s5] =	stream.strided.scatter [tilespmem:s19], [sflag:$0x2], $0x1000, s6, s5, $0x38;
	[tilespmem:$0xC000] =	vst v63  }
0x46a: {  	s25 =	sadd.s32 $0x30, s26;
	s28 =	sld [smem:$0x7CD]  }
0x46b: {  	[hbm4b:s25+s5] =	stream.strided.scatter [tilespmem:s23], [sflag:$0x2], $0x1000, s6, s5, $0x38;
	[tilespmem:$0xC000] =	vst v63  }
0x46c: {  	s29 =	sadd.s32 $0x40, s26;
	s30 =	sld [smem:$0x7CE]  }
0x46d: {  	[hbm4b:s29+s5] =	stream.strided.scatter [tilespmem:s28], [sflag:$0x2], $0x1000, s6, s5, $0x38;
	[tilespmem:$0xC000] =	vst v63  }
0x46e: {  	s9 =	sadd.s32 $0x50, s26;
	s10 =	sld [smem:$0x7CF]  }
0x46f: {  	[hbm4b:s9+s5] =	stream.strided.scatter [tilespmem:s30], [sflag:$0x2], $0x1000, s6, s5, $0x38;
	[tilespmem:$0xC000] =	vst v63  }
0x470: {  	s11 =	sadd.s32 $0x60, s26;
	s12 =	sld [smem:$0x7D0]  }
0x471: {  	[hbm4b:s11+s5] =	stream.strided.scatter [tilespmem:s10], [sflag:$0x2], $0x1000, s6, s5, $0x38;
	[tilespmem:$0xC000] =	vst v63  }
0x472: {  	s13 =	sadd.s32 $0x70, s26;
	s15 =	sld [smem:$0x7D1]  }
0x473: {  	[hbm4b:s13+s5] =	stream.strided.scatter [tilespmem:s12], [sflag:$0x2], $0x1000, s6, s5, $0x38;
	[tilespmem:$0xC000] =	vst v63  }
0x474: {  	s17 =	sld [smem:$0x7D2]  }
0x475: {  	[hbm4b:s16+s5] =	stream.strided.scatter [tilespmem:s15], [sflag:$0x2], $0x1000, s6, s5, $0x38;
	[tilespmem:$0xC000] =	vst v63  }
0x476: {  	s19 =	sadd.s32 $0x10, s16;
	s20 =	sld [smem:$0x7D3]  }
0x477: {  	[hbm4b:s19+s5] =	stream.strided.scatter [tilespmem:s17], [sflag:$0x2], $0x1000, s6, s5, $0x38;
	[tilespmem:$0xC000] =	vst v63  }
0x478: {  	s23 =	sadd.s32 $0x20, s16;
	s25 =	sld [smem:$0x7D4]  }
0x479: {  	[hbm4b:s23+s5] =	stream.strided.scatter [tilespmem:s20], [sflag:$0x2], $0x1000, s6, s5, $0x38;
	[tilespmem:$0xC000] =	vst v63  }
0x47a: {  	s26 =	sadd.s32 $0x30, s16;
	s28 =	sld [smem:$0x7D5]  }
0x47b: {  	[hbm4b:s26+s5] =	stream.strided.scatter [tilespmem:s25], [sflag:$0x2], $0x1000, s6, s5, $0x38;
	[tilespmem:$0xC000] =	vst v63  }
0x47c: {  	s29 =	sadd.s32 $0x40, s16;
	s30 =	sld [smem:$0x7D6]  }
0x47d: {  	[hbm4b:s29+s5] =	stream.strided.scatter [tilespmem:s28], [sflag:$0x2], $0x1000, s6, s5, $0x38;
	[tilespmem:$0xC000] =	vst v63  }
0x47e: {  	s2 =	sadd.s32 $0x50, s16;
	s9 =	sld [smem:$0x7D7]  }
0x47f: {  	[hbm4b:s2+s5] =	stream.strided.scatter [tilespmem:s30], [sflag:$0x2], $0x1000, s6, s5, $0x38;
	[tilespmem:$0xC000] =	vst v63  }
0x480: {  	s10 =	sadd.s32 $0x60, s16;
	s11 =	sld [smem:$0x7D8]  }
0x481: {  	[hbm4b:s10+s5] =	stream.strided.scatter [tilespmem:s9], [sflag:$0x2], $0x1000, s6, s5, $0x38;
	[tilespmem:$0xC000] =	vst v63  }
0x482: {  	s12 =	sadd.s32 $0x70, s16;
	s13 =	sld [smem:$0x7D9]  }
0x483: {  	[hbm4b:s12+s5] =	stream.strided.scatter [tilespmem:s11], [sflag:$0x2], $0x1000, s6, s5, $0x38;
	[tilespmem:$0xC000] =	vst v63  }
0x484: {  	s15 =	sld [smem:$0x7DA]  }
0x485: {  	[hbm4b:s4+s5] =	stream.strided.scatter [tilespmem:s13], [sflag:$0x2], $0x1000, s6, s5, $0x38;
	[tilespmem:$0xC000] =	vst v63  }
0x486: {  	s16 =	sadd.s32 $0x10, s4;
	s17 =	sld [smem:$0x7DB]  }
0x487: {  	[hbm4b:s16+s5] =	stream.strided.scatter [tilespmem:s15], [sflag:$0x2], $0x1000, s6, s5, $0x38;
	[tilespmem:$0xC000] =	vst v63  }
0x488: {  	s19 =	sadd.s32 $0x20, s4;
	s20 =	sld [smem:$0x7DC]  }
0x489: {  	[hbm4b:s19+s5] =	stream.strided.scatter [tilespmem:s17], [sflag:$0x2], $0x1000, s6, s5, $0x38;
	[tilespmem:$0xC000] =	vst v63  }
0x48a: {  	s23 =	sadd.s32 $0x30, s4;
	s25 =	sld [smem:$0x7DD]  }
0x48b: {  	[hbm4b:s23+s5] =	stream.strided.scatter [tilespmem:s20], [sflag:$0x2], $0x1000, s6, s5, $0x38;
	[tilespmem:$0xC000] =	vst v63  }
0x48c: {  	s26 =	sadd.s32 $0x40, s4;
	s28 =	sld [smem:$0x7DE]  }
0x48d: {  	[hbm4b:s26+s5] =	stream.strided.scatter [tilespmem:s25], [sflag:$0x2], $0x1000, s6, s5, $0x38;
	[tilespmem:$0xC000] =	vst v63  }
0x48e: {  	s29 =	sadd.s32 $0x50, s4;
	s30 =	sld [smem:$0x7DF]  }
0x48f: {  	[hbm4b:s29+s5] =	stream.strided.scatter [tilespmem:s28], [sflag:$0x2], $0x1000, s6, s5, $0x38;
	[tilespmem:$0xC000] =	vst v63  }
0x490: {  	s1 =	sadd.s32 $0x60, s4;
	s9 =	sld [smem:$0x7E0]  }
0x491: {  	[hbm4b:s1+s5] =	stream.strided.scatter [tilespmem:s30], [sflag:$0x2], $0x1000, s6, s5, $0x38;
	[tilespmem:$0xC000] =	vst v63  }
0x492: {  	s10 =	sadd.s32 $0x70, s4;
	s11 =	sld [smem:$0x7E1]  }
0x493: {  	[hbm4b:s10+s5] =	stream.strided.scatter [tilespmem:s9], [sflag:$0x2], $0x1000, s6, s5, $0x38;
	[tilespmem:$0xC000] =	vst v63  }
0x494: {  	s12 =	sld [smem:$0x7E2]  }
0x495: {  	[hbm4b:s7+s5] =	stream.strided.scatter [tilespmem:s11], [sflag:$0x2], $0x1000, s6, s5, $0x38;
	[tilespmem:$0xC000] =	vst v63  }
0x496: {  	s13 =	sadd.s32 $0x10, s7;
	s15 =	sld [smem:$0x7E3]  }
0x497: {  	[hbm4b:s13+s5] =	stream.strided.scatter [tilespmem:s12], [sflag:$0x2], $0x1000, s6, s5, $0x38;
	[tilespmem:$0xC000] =	vst v63  }
0x498: {  	s16 =	sadd.s32 $0x20, s7;
	s17 =	sld [smem:$0x7E4]  }
0x499: {  	[hbm4b:s16+s5] =	stream.strided.scatter [tilespmem:s15], [sflag:$0x2], $0x1000, s6, s5, $0x38;
	[tilespmem:$0xC000] =	vst v63  }
0x49a: {  	s19 =	sadd.s32 $0x30, s7;
	s20 =	sld [smem:$0x7E5]  }
0x49b: {  	[hbm4b:s19+s5] =	stream.strided.scatter [tilespmem:s17], [sflag:$0x2], $0x1000, s6, s5, $0x38;
	[tilespmem:$0xC000] =	vst v63  }
0x49c: {  	s23 =	sadd.s32 $0x40, s7;
	s25 =	sld [smem:$0x7E6]  }
0x49d: {  	[hbm4b:s23+s5] =	stream.strided.scatter [tilespmem:s20], [sflag:$0x2], $0x1000, s6, s5, $0x38;
	[tilespmem:$0xC000] =	vst v63  }
0x49e: {  	s26 =	sadd.s32 $0x50, s7;
	s28 =	sld [smem:$0x7E7]  }
0x49f: {  	[hbm4b:s26+s5] =	stream.strided.scatter [tilespmem:s25], [sflag:$0x2], $0x1000, s6, s5, $0x38;
	[tilespmem:$0xC000] =	vst v63  }
0x4a0: {  	s29 =	sadd.s32 $0x60, s7;
	s30 =	sld [smem:$0x7E8]  }
0x4a1: {  	[hbm4b:s29+s5] =	stream.strided.scatter [tilespmem:s28], [sflag:$0x2], $0x1000, s6, s5, $0x38;
	[tilespmem:$0xC000] =	vst v63  }
0x4a2: {  	s2 =	sadd.s32 $0x70, s7;
	s4 =	sld [smem:$0x7E9]  }
0x4a3: {  	[hbm4b:s2+s5] =	stream.strided.scatter [tilespmem:s30], [sflag:$0x2], $0x1000, s6, s5, $0x38;
	[tilespmem:$0xC000] =	vst v63  }
0x4a4: {  	s7 =	sld [smem:$0x7EA]  }
0x4a5: {  	[hbm4b:s14+s5] =	stream.strided.scatter [tilespmem:s4], [sflag:$0x2], $0x1000, s6, s5, $0x38;
	[tilespmem:$0xC000] =	vst v63  }
0x4a6: {  	s9 =	sadd.s32 $0x10, s14;
	s10 =	sld [smem:$0x7EB]  }
0x4a7: {  	[hbm4b:s9+s5] =	stream.strided.scatter [tilespmem:s7], [sflag:$0x2], $0x1000, s6, s5, $0x38;
	[tilespmem:$0xC000] =	vst v63  }
0x4a8: {  	s11 =	sadd.s32 $0x20, s14;
	s12 =	sld [smem:$0x7EC]  }
0x4a9: {  	[hbm4b:s11+s5] =	stream.strided.scatter [tilespmem:s10], [sflag:$0x2], $0x1000, s6, s5, $0x38;
	[tilespmem:$0xC000] =	vst v63  }
0x4aa: {  	s13 =	sadd.s32 $0x30, s14;
	s15 =	sld [smem:$0x7ED]  }
0x4ab: {  	[hbm4b:s13+s5] =	stream.strided.scatter [tilespmem:s12], [sflag:$0x2], $0x1000, s6, s5, $0x38;
	[tilespmem:$0xC000] =	vst v63  }
0x4ac: {  	s16 =	sadd.s32 $0x40, s14;
	s17 =	sld [smem:$0x7EE]  }
0x4ad: {  	[hbm4b:s16+s5] =	stream.strided.scatter [tilespmem:s15], [sflag:$0x2], $0x1000, s6, s5, $0x38;
	[tilespmem:$0xC000] =	vst v63  }
0x4ae: {  	s19 =	sadd.s32 $0x50, s14;
	s20 =	sld [smem:$0x7EF]  }
0x4af: {  	[hbm4b:s19+s5] =	stream.strided.scatter [tilespmem:s17], [sflag:$0x2], $0x1000, s6, s5, $0x38;
	[tilespmem:$0xC000] =	vst v63  }
0x4b0: {  	s23 =	sadd.s32 $0x60, s14;
	s25 =	sld [smem:$0x7F0]  }
0x4b1: {  	[hbm4b:s23+s5] =	stream.strided.scatter [tilespmem:s20], [sflag:$0x2], $0x1000, s6, s5, $0x38;
	[tilespmem:$0xC000] =	vst v63  }
0x4b2: {  	s26 =	sadd.s32 $0x70, s14  }
0x4b3: {  	[hbm4b:s26+s5] =	stream.strided.scatter [tilespmem:s25], [sflag:$0x2], $0x1000, s6, s5, $0x38;
	[tilespmem:$0xC000] =	vst v63  }
0x4b4: {  	s28 =	sld [smem:$0x7F1]  }
0x4b5: {  	[hbm4b:s22+s5] =	stream.strided.scatter [tilespmem:s5], [sflag:$0x2], $0x1000, s6, s5, $0x38;
	[tilespmem:$0xC000] =	vst v63  }
0x4b6: {  	s29 =	sadd.s32 $0x10, s22;
	s30 =	sld [smem:$0x7F2]  }
0x4b7: {  	[hbm4b:s29+s5] =	stream.strided.scatter [tilespmem:s28], [sflag:$0x2], $0x1000, s6, s5, $0x38;
	[tilespmem:$0xC000] =	vst v63  }
0x4b8: {  	s1 =	sadd.s32 $0x20, s22;
	s4 =	sld [smem:$0x7F3]  }
0x4b9: {  	[hbm4b:s1+s5] =	stream.strided.scatter [tilespmem:s30], [sflag:$0x2], $0x1000, s6, s5, $0x38;
	[tilespmem:$0xC000] =	vst v63  }
0x4ba: {  	s7 =	sadd.s32 $0x30, s22;
	s9 =	sld [smem:$0x7F4]  }
0x4bb: {  	[hbm4b:s7+s5] =	stream.strided.scatter [tilespmem:s4], [sflag:$0x2], $0x1000, s6, s5, $0x38;
	[tilespmem:$0xC000] =	vst v63  }
0x4bc: {  	s10 =	sadd.s32 $0x40, s22;
	s11 =	sld [smem:$0x7F5]  }
0x4bd: {  	[hbm4b:s10+s5] =	stream.strided.scatter [tilespmem:s9], [sflag:$0x2], $0x1000, s6, s5, $0x38;
	[tilespmem:$0xC000] =	vst v63  }
0x4be: {  	s12 =	sadd.s32 $0x50, s22;
	s13 =	sld [smem:$0x7F6]  }
0x4bf: {  	[hbm4b:s12+s5] =	stream.strided.scatter [tilespmem:s11], [sflag:$0x2], $0x1000, s6, s5, $0x38;
	[tilespmem:$0xC000] =	vst v63  }
0x4c0: {  	s14 =	sadd.s32 $0x60, s22;
	s15 =	sld [smem:$0x7F7]  }
0x4c1: {  	[hbm4b:s14+s5] =	stream.strided.scatter [tilespmem:s13], [sflag:$0x2], $0x1000, s6, s5, $0x38;
	[tilespmem:$0xC000] =	vst v63  }
0x4c2: {  	s16 =	sadd.s32 $0x70, s22  }
0x4c3: {  	[hbm4b:s16+s5] =	stream.strided.scatter [tilespmem:s15], [sflag:$0x2], $0x1000, s6, s5, $0x38;
	[tilespmem:$0xC000] =	vst v63  }
0x4c4: {  	_ = 	snop  }
0x4c5: {  	[hbm4b:s31+s5] =	stream.strided.scatter [tilespmem:s21], [sflag:$0x2], $0x1000, s6, s5, $0x38;
	[tilespmem:$0xC000] =	vst v63  }
0x4c6: {  	s17 =	sadd.s32 $0x10, s31;
	s19 =	sld [smem:$0x7F8]  }
0x4c7: {  	[hbm4b:s17+s5] =	stream.strided.scatter [tilespmem:s24], [sflag:$0x2], $0x1000, s6, s5, $0x38;
	[tilespmem:$0xC000] =	vst v63  }
0x4c8: {  	s20 =	sadd.s32 $0x20, s31;
	s21 =	sld [smem:$0x7F9]  }
0x4c9: {  	[hbm4b:s20+s5] =	stream.strided.scatter [tilespmem:s19], [sflag:$0x2], $0x1000, s6, s5, $0x38;
	[tilespmem:$0xC000] =	vst v63  }
0x4ca: {  	s23 =	sld [smem:$0x7FA];
	s22 =	sadd.s32 $0x30, s31  }
0x4cb: {  	[hbm4b:s22+s5] =	stream.strided.scatter [tilespmem:s21], [sflag:$0x2], $0x1000, s6, s5, $0x38;
	[tilespmem:$0xC000] =	vst v63  }
0x4cc: {  	s25 =	sld [smem:$0x7FB];
	s24 =	sadd.s32 $0x40, s31  }
0x4cd: {  	[hbm4b:s24+s5] =	stream.strided.scatter [tilespmem:s23], [sflag:$0x2], $0x1000, s6, s5, $0x38;
	[tilespmem:$0xC000] =	vst v63  }
0x4ce: {  	s26 =	sadd.s32 $0x50, s31;
	s28 =	sld [smem:$0x7FC]  }
0x4cf: {  	[hbm4b:s26+s5] =	stream.strided.scatter [tilespmem:s25], [sflag:$0x2], $0x1000, s6, s5, $0x38;
	[tilespmem:$0xC000] =	vst v63  }
0x4d0: {  	s29 =	sadd.s32 $0x60, s31;
	s30 =	sld [smem:$0x7FD]  }
0x4d1: {  	[hbm4b:s29+s5] =	stream.strided.scatter [tilespmem:s28], [sflag:$0x2], $0x1000, s6, s5, $0x38;
	[tilespmem:$0xC000] =	vst v63  }
0x4d2: {  	s31 =	sadd.s32 $0x70, s31  }
0x4d3: {  	[hbm4b:s31+s5] =	stream.strided.scatter [tilespmem:s30], [sflag:$0x2], $0x1000, s6, s5, $0x38;
	[tilespmem:$0xC000] =	vst v63  }
0x4d4: {  	_ =	swait.ge [sflag:s3], $0x8000  }
0x4d5: {  	[sflag:s3] =	ssyncset.done $0x0  }
0x4d6: {  	[sflag:s3] =	ssyncadd.s32 $0xFFFF8000  }
0x4d7: {  	_ =	swait.ge [sflag:s3], $0x8000  }
0x4d8: {  	[sflag:s3] =	ssyncset.done $0x0  }
0x4d9: {  	[sflag:s3] =	ssyncadd.s32 $0xFFFF8000  }
0x4da: {  	_ =	swait.ge [sflag:s3], $0x8000  }
0x4db: {  	[sflag:s3] =	ssyncset.done $0x0  }
0x4dc: {  	[sflag:s3] =	ssyncadd.s32 $0xFFFF8000  }
0x4dd: {  	_ =	swait.ge [sflag:s3], $0x8000  }
0x4de: {  	[sflag:s3] =	ssyncset.done $0x0  }
0x4df: {  	[sflag:s3] =	ssyncadd.s32 $0xFFFF8000  }
0x4e0: {  	_ =	swait.ge [sflag:s3], $0x8000  }
0x4e1: {  	[sflag:s3] =	ssyncset.done $0x0  }
0x4e2: {  	[sflag:s3] =	ssyncadd.s32 $0xFFFF8000  }
0x4e3: {  	_ =	swait.ge [sflag:s3], $0x8000  }
0x4e4: {  	[sflag:s3] =	ssyncset.done $0x0  }
0x4e5: {  	[sflag:s3] =	ssyncadd.s32 $0xFFFF8000  }
0x4e6: {  	_ =	swait.ge [sflag:s3], $0x8000  }
0x4e7: {  	[sflag:s3] =	ssyncset.done $0x0  }
0x4e8: {  	[sflag:s3] =	ssyncadd.s32 $0xFFFF8000  }
0x4e9: {  	_ =	swait.ge [sflag:s3], $0x8000  }
0x4ea: {  	[sflag:s3] =	ssyncset.done $0x0  }
0x4eb: {  	[sflag:s3] =	ssyncadd.s32 $0xFFFF8000  }
0x4ec: {  	_ =	swait.ge [sflag:s3], $0x8000  }
0x4ed: {  	[sflag:s3] =	ssyncset.done $0x0  }
0x4ee: {  	[sflag:s3] =	ssyncadd.s32 $0xFFFF8000  }
0x4ef: {  	_ =	swait.ge [sflag:s3], $0x8000  }
0x4f0: {  	[sflag:s3] =	ssyncset.done $0x0  }
0x4f1: {  	[sflag:s3] =	ssyncadd.s32 $0xFFFF8000  }
0x4f2: {  	_ =	swait.ge [sflag:s3], $0x8000  }
0x4f3: {  	[sflag:s3] =	ssyncset.done $0x0  }
0x4f4: {  	[sflag:s3] =	ssyncadd.s32 $0xFFFF8000  }
0x4f5: {  	_ =	swait.ge [sflag:s3], $0x8000  }
0x4f6: {  	[sflag:s3] =	ssyncset.done $0x0  }
0x4f7: {  	[sflag:s3] =	ssyncadd.s32 $0xFFFF8000  }
0x4f8: {  	_ =	swait.ge [sflag:s3], $0x8000  }
0x4f9: {  	[sflag:s3] =	ssyncset.done $0x0  }
0x4fa: {  	[sflag:s3] =	ssyncadd.s32 $0xFFFF8000  }
0x4fb: {  	_ =	swait.ge [sflag:s3], $0x8000  }
0x4fc: {  	[sflag:s3] =	ssyncset.done $0x0  }
0x4fd: {  	[sflag:s3] =	ssyncadd.s32 $0xFFFF8000  }
0x4fe: {  	_ =	swait.ge [sflag:s3], $0x8000  }
0x4ff: {  	[sflag:s3] =	ssyncset.done $0x0  }
0x500: {  	[sflag:s3] =	ssyncadd.s32 $0xFFFF8000  }
0x501: {  	_ =	swait.ge [sflag:s3], $0x8000  }
0x502: {  	[sflag:s3] =	ssyncset.done $0x0  }
0x503: {  	[sflag:s3] =	ssyncadd.s32 $0xFFFF8000  }
0x504: {  	_ =	sfence.sel $0x180000  }
0x505: {  	[bflag:$0x0] =	sbarrier.arrive $0xFFFF  }
0x506: {  	p0 =	sne.s32 s18, $0x0;
	_ =	strace $0x90000047  }
0x507: {  	s0 =	sadd.s32 @!p0 $0x100000, s8;
	[bflag:$0x2] =	sbarrier.arrive $0xFFFF  }
0x508: {  	[sflag:s0] =	ssyncadd.tile.s32 @!p0 $0x1;
	_ =	shalt  }
.LBB2_2:
0x509: {  	s8 =	rddreg [dreg:$0x2]  }
0x50a: {  	s14 =	sld [smem:$0x79B]  }
0x50b: {  	s7 =	sld [smem:$0x78D]  }
0x50c: {  	s4 =	sld [smem:$0x78B]  }
0x50d: {  	s16 =	sld [smem:$0x794]  }
0x50e: {  	s26 =	sld [smem:$0x797]  }
0x50f: {  	s13 =	sld [smem:$0x790]  }
0x510: {  	s15 =	sld [smem:$0x79A]  }
.Ltmp3:
0x511: {  	s20 =	sld [smem:$0x791];
	(pc) =	sbr.rel .LBB2_5-.Ltmp3, $4  }
0x512: {  	s18 =	stileid.u32;
	s17 =	sld [smem:$0x79C]  }
0x513: {  	s21 =	simm.s32 $0x0;
	s31 =	smov.u32 s0;
	s10 =	sld [smem:$0x795]  }
0x514: {  	s22 =	smov.u32 s2;
	s19 =	smov.u32 s11;
	s11 =	sld [smem:$0x798]  }
0x515: {  	s24 =	simm.s32 $0x1800;
	s25 =	smov.u32 s9;
	s9 =	sld [smem:$0x792]  }
.Lfunc_end2:
_tile_overlayer_lowered:
.L_overlay_start_2:
0x516: {  	(tag) =	ssettag $0x2  }
0x517: {  	s0 =	rddreg [dreg:$0x0];
	s2 =	stileid.u32  }
0x518: {  	s1 =	rddreg [dreg:$0x1];
	p0 =	sne.s32 s2, $0x0  }
0x519: {  	s3 =	rddreg [dreg:$0x2];
	[bflag:$0x3] =	sbarrier.arrive $0xFFFF;
	s2 =	simm.s32 @!p0 $0x1C03  }
0x51a: {  	[timem:s3], [sflag:s2] =	dma.local @!p0 [hbm:s0], s1  }
0x51b: {  	s0 =	simm.s32 @!p0 $0x3  }
0x51c: {  	_ =	swait.ge @!p0 [sflag:s0], s1  }
0x51d: {  	s1 =	ssub.s32 @!p0 $0x0, s1;
	[sflag:s0] =	ssyncset.done @!p0 $0x0  }
0x51e: {  	[sflag:s0] =	ssyncadd.s32 @!p0 s1  }
0x51f: {  	[bflag:$0x3] =	sbarrier.arrive $0xFFFF  }
0x520: {  	_ =	shalt  }

</sc_bundles>
